<compile_context>
chip_gen: v7x
topology: tpu7x:2x2x1
jax: 0.10.2.dev20260603
libtpu: 0.0.44.dev20260713+nightly
codegen_flags: <defaults>
</compile_context>

<pallas_src>
import functools

import jax
import jax.numpy as jnp
from jax import lax
from jax.experimental import pallas as pl
from jax.experimental.pallas import tpu as pltpu
from jax.experimental.pallas import tpu_sc as plsc

N = 10000
D = 128
E = 160000
NC, NS, L = 2, 16, 16
NBUF = 3
CHUNK = 96
PTE = E // NS
CPT = PTE // CHUNK
TAIL = PTE - CPT * CHUNK
RPT = 632
LASTR = N - (NS - 1) * RPT
MROWS = 400


def _sc_agg(x_op, x_mach, s_om, d_om, s_mo, d_mo):
    mesh = plsc.VectorSubcoreMesh(core_axis_name="c", subcore_axis_name="s")

    @functools.partial(
        pl.kernel,
        mesh=mesh,
        out_type=jax.ShapeDtypeStruct((NC * N, D), jnp.float32),
        scratch_types=(
            [pltpu.VMEM((PTE,), jnp.int32),
             pltpu.VMEM((NBUF, CHUNK), jnp.int32),
             pltpu.VMEM((1, TAIL), jnp.int32)]
            + [pltpu.VMEM((CHUNK, D), jnp.float32)] * NBUF
            + [pltpu.VMEM_SHARED((N, D), jnp.float32)]
            + [pltpu.SemaphoreType.DMA] * (2 * NBUF + 2)
        ),
    )
    def k(xop_hbm, xmach_hbm, som_hbm, dom_hbm, smo_hbm, dmo_hbm, out_hbm,
          src_v, dring, dtail, *rest):
        rows_l = rest[:NBUF]
        accum = rest[NBUF]
        sg_l = rest[NBUF + 1:NBUF + 1 + NBUF]
        sd_l = rest[NBUF + 1 + NBUF:NBUF + 1 + 2 * NBUF]
        s_stage, s_init = rest[NBUF + 1 + 2 * NBUF:]
        c = lax.axis_index("c")
        s = lax.axis_index("s")
        bufs = tuple(zip(rows_l, sg_l, sd_l))

        def pipeline(table, src_hbm, dst_hbm, xd_hbm):
            ebase = s * PTE

            stage_cp = pltpu.async_copy(
                src_hbm.at[pl.ds(ebase, PTE)], src_v, s_stage)

            @pl.when(s < NS - 1)
            def _():
                pltpu.async_copy(xd_hbm.at[pl.ds(s * RPT, RPT)],
                                 accum.at[pl.ds(s * RPT, RPT)], s_init)

            @pl.when(s == NS - 1)
            def _():
                pltpu.async_copy(xd_hbm.at[pl.ds((NS - 1) * RPT, LASTR)],
                                 accum.at[pl.ds((NS - 1) * RPT, LASTR)], s_init)

            def gidx(j):
                return src_v.at[pl.ds(j * CHUNK, CHUNK)]

            stage_cp.wait()
            for b, (rows, sg, sd) in enumerate(bufs):
                pltpu.async_copy(table.at[gidx(b)], rows, sg)
                pltpu.async_copy(dst_hbm.at[pl.ds(ebase + b * CHUNK, CHUNK)],
                                 dring.at[b], sd)

            @pl.when(s < NS - 1)
            def _():
                pltpu.make_async_copy(
                    xd_hbm.at[pl.ds(s * RPT, RPT)],
                    accum.at[pl.ds(s * RPT, RPT)], s_init).wait()

            @pl.when(s == NS - 1)
            def _():
                pltpu.make_async_copy(
                    xd_hbm.at[pl.ds((NS - 1) * RPT, LASTR)],
                    accum.at[pl.ds((NS - 1) * RPT, LASTR)], s_init).wait()

            plsc.subcore_barrier()

            def step(j, b):
                rows, sg, sd = bufs[b]
                pltpu.make_async_copy(table.at[gidx(j)], rows, sg).wait()
                pltpu.make_async_copy(
                    dst_hbm.at[pl.ds(ebase + j * CHUNK, CHUNK)],
                    dring.at[b], sd).wait()
                pltpu.sync_copy(rows, accum.at[dring.at[b]], add=True)

                @pl.when(j + NBUF < CPT)
                def _():
                    pltpu.async_copy(table.at[gidx(j + NBUF)], rows, sg)
                    pltpu.async_copy(
                        dst_hbm.at[pl.ds(ebase + (j + NBUF) * CHUNK, CHUNK)],
                        dring.at[b], sd)

            def body(g, carry):
                j = NBUF * g
                for b in range(NBUF):
                    step(j + b, b)
                return carry

            lax.fori_loop(0, CPT // NBUF, body, 0)
            step(CPT // NBUF * NBUF, 0)
            step(CPT // NBUF * NBUF + 1, 1)

            rows, sg, sd = bufs[2]
            tcp = pltpu.async_copy(
                table.at[src_v.at[pl.ds(CPT * CHUNK, TAIL)]],
                rows.at[pl.ds(0, TAIL)], sg)
            pltpu.sync_copy(dst_hbm.at[pl.ds(ebase + CPT * CHUNK, TAIL)],
                            dtail.at[0])
            tcp.wait()
            pltpu.sync_copy(rows.at[pl.ds(0, TAIL)],
                            accum.at[dtail.at[0]], add=True)

            plsc.subcore_barrier()

            @pl.when(s < NS - 1)
            def _():
                pltpu.sync_copy(accum.at[pl.ds(s * RPT, RPT)],
                                out_hbm.at[pl.ds(c * N + s * RPT, RPT)])

            @pl.when(s == NS - 1)
            def _():
                pltpu.sync_copy(
                    accum.at[pl.ds((NS - 1) * RPT, LASTR)],
                    out_hbm.at[pl.ds(c * N + (NS - 1) * RPT, LASTR)])

        @pl.when(c == 0)
        def _():
            pipeline(xop_hbm, som_hbm, dom_hbm, xmach_hbm)

        @pl.when(c == 1)
        def _():
            pipeline(xmach_hbm, smo_hbm, dmo_hbm, xop_hbm)

    return k(x_op, x_mach, s_om, d_om, s_mo, d_mo)


def _tc_mlp_body(agg0_ref, agg1_ref, xm_ref, xo_ref,
                 w1_ref, b1_ref, w2_ref, b2_ref, eps_ref,
                 o0_ref, o1_ref):
    def mlp(xin, t):
        h = jnp.dot(xin, w1_ref[t], preferred_element_type=jnp.float32)
        h = jnp.maximum(h + b1_ref[t], 0.0)
        y = jnp.dot(h, w2_ref[t], preferred_element_type=jnp.float32)
        return jnp.maximum(y + b2_ref[t], 0.0)

    o0_ref[...] = mlp(agg0_ref[...] + eps_ref[0] * xm_ref[...], 0)
    o1_ref[...] = mlp(agg1_ref[...] + eps_ref[1] * xo_ref[...], 1)


def _tc_mlp(agg, x_mach, x_op, w1s, b1s, w2s, b2s, epss):
    nb = N // MROWS
    out = pl.pallas_call(
        _tc_mlp_body,
        grid=(nb,),
        in_specs=[
            pl.BlockSpec((MROWS, D), lambda i: (i, 0)),
            pl.BlockSpec((MROWS, D), lambda i, _nb=nb: (i + _nb, 0)),
            pl.BlockSpec((MROWS, D), lambda i: (i, 0)),
            pl.BlockSpec((MROWS, D), lambda i: (i, 0)),
            pl.BlockSpec((NC, D, D), lambda i: (0, 0, 0)),
            pl.BlockSpec((NC, 1, D), lambda i: (0, 0, 0)),
            pl.BlockSpec((NC, D, D), lambda i: (0, 0, 0)),
            pl.BlockSpec((NC, 1, D), lambda i: (0, 0, 0)),
            pl.BlockSpec(memory_space=pltpu.SMEM),
        ],
        out_specs=[
            pl.BlockSpec((MROWS, D), lambda i: (i, 0)),
            pl.BlockSpec((MROWS, D), lambda i: (i, 0)),
        ],
        out_shape=[
            jax.ShapeDtypeStruct((N, D), jnp.float32),
            jax.ShapeDtypeStruct((N, D), jnp.float32),
        ],
    )(agg, agg, x_mach, x_op, w1s, b1s, w2s, b2s, epss)
    return out


def _fold_bn(W1, b1, g1, be1, rm1, rv1, W2, b2, g2, be2, rm2, rv2):
    s1 = g1 * lax.rsqrt(rv1 + 1e-5)
    s2 = g2 * lax.rsqrt(rv2 + 1e-5)
    return (W1 * s1[None, :], (b1 - rm1) * s1 + be1,
            W2 * s2[None, :], (b2 - rm2) * s2 + be2)


def kernel(x_op, x_mach, ei_om, ei_mo,
           W1_op, b1_op, g1_op, be1_op, rm1_op, rv1_op,
           W2_op, b2_op, g2_op, be2_op, rm2_op, rv2_op,
           W1_mach, b1_mach, g1_mach, be1_mach, rm1_mach, rv1_mach,
           W2_mach, b2_mach, g2_mach, be2_mach, rm2_mach, rv2_mach,
           eps_om, eps_mo):
    agg = _sc_agg(x_op, x_mach, ei_om[0], ei_om[1], ei_mo[0], ei_mo[1])

    w1f_op, b1f_op, w2f_op, b2f_op = _fold_bn(
        W1_op, b1_op, g1_op, be1_op, rm1_op, rv1_op,
        W2_op, b2_op, g2_op, be2_op, rm2_op, rv2_op)
    w1f_m, b1f_m, w2f_m, b2f_m = _fold_bn(
        W1_mach, b1_mach, g1_mach, be1_mach, rm1_mach, rv1_mach,
        W2_mach, b2_mach, g2_mach, be2_mach, rm2_mach, rv2_mach)

    w1s = jnp.stack([w1f_op, w1f_m])
    b1s = jnp.stack([b1f_op, b1f_m])[:, None, :]
    w2s = jnp.stack([w2f_op, w2f_m])
    b2s = jnp.stack([b2f_op, b2f_m])[:, None, :]
    epss = jnp.stack([eps_om, eps_mo])

    out_mach, out_op = _tc_mlp(agg, x_mach, x_op, w1s, b1s, w2s, b2s, epss)
    return (out_op, out_mach)

# --- scband reference (transcript-rebuilt; emitter-appended) ---
"""Pipeline reference for scband-hginlayer-88648124991553 (READ-ONLY COPY).

The authoritative reference and input builder live on the scoring server;
editing this copy changes nothing except your own understanding.
"""

import jax, jax.numpy as jnp
import numpy as np

N_OP = 10000
N_MACH = 10000
E = 160000
D = 128


def _bn(h, g, b, rm, rv):
    return (h - rm) / jnp.sqrt(rv + 1e-5) * g + b


def _mlp(h, p):
    h = h @ p['W1'] + p['b1']
    h = jax.nn.relu(_bn(h, p['g1'], p['be1'], p['rm1'], p['rv1']))
    h = h @ p['W2'] + p['b2']
    h = jax.nn.relu(_bn(h, p['g2'], p['be2'], p['rm2'], p['rv2']))
    return h


def setup_inputs(seed: int = 0) -> dict:
    key = jax.random.key(seed)
    ks = jax.random.split(key, 8)
    inp = {}
    inp['x_op'] = jax.random.normal(ks[0], (N_OP, D), dtype=jnp.float32)
    inp['x_mach'] = jax.random.normal(ks[1], (N_MACH, D), dtype=jnp.float32)
    inp['ei_om'] = jax.random.randint(ks[2], (2, E), 0, N_OP, dtype=jnp.int32)
    inp['ei_mo'] = jax.random.randint(ks[3], (2, E), 0, N_MACH, dtype=jnp.int32)
    for name, kk in (('op', ks[4]), ('mach', ks[5])):
        k1, k2 = jax.random.split(kk)
        inp['W1_' + name] = (jax.random.normal(k1, (D, D), dtype=jnp.float32) / np.sqrt(D)).astype(jnp.float32)
        inp['b1_' + name] = jnp.zeros((D,), jnp.float32)
        inp['g1_' + name] = jnp.ones((D,), jnp.float32)
        inp['be1_' + name] = jnp.zeros((D,), jnp.float32)
        inp['rm1_' + name] = jnp.zeros((D,), jnp.float32)
        inp['rv1_' + name] = jnp.ones((D,), jnp.float32)
        inp['W2_' + name] = (jax.random.normal(k2, (D, D), dtype=jnp.float32) / np.sqrt(D)).astype(jnp.float32)
        inp['b2_' + name] = jnp.zeros((D,), jnp.float32)
        inp['g2_' + name] = jnp.ones((D,), jnp.float32)
        inp['be2_' + name] = jnp.zeros((D,), jnp.float32)
        inp['rm2_' + name] = jnp.zeros((D,), jnp.float32)
        inp['rv2_' + name] = jnp.ones((D,), jnp.float32)
    inp['eps_om'] = jnp.array(0.0, jnp.float32)
    inp['eps_mo'] = jnp.array(0.0, jnp.float32)
    return inp


def reference(x_op, x_mach, ei_om, ei_mo,
              W1_op, b1_op, g1_op, be1_op, rm1_op, rv1_op,
              W2_op, b2_op, g2_op, be2_op, rm2_op, rv2_op,
              W1_mach, b1_mach, g1_mach, be1_mach, rm1_mach, rv1_mach,
              W2_mach, b2_mach, g2_mach, be2_mach, rm2_mach, rv2_mach,
              eps_om, eps_mo):
    p_op = {'W1': W1_op, 'b1': b1_op, 'g1': g1_op, 'be1': be1_op, 'rm1': rm1_op, 'rv1': rv1_op,
            'W2': W2_op, 'b2': b2_op, 'g2': g2_op, 'be2': be2_op, 'rm2': rm2_op, 'rv2': rv2_op}
    p_mach = {'W1': W1_mach, 'b1': b1_mach, 'g1': g1_mach, 'be1': be1_mach, 'rm1': rm1_mach, 'rv1': rv1_mach,
              'W2': W2_mach, 'b2': b2_mach, 'g2': g2_mach, 'be2': be2_mach, 'rm2': rm2_mach, 'rv2': rv2_mach}
    # GINConv for edge type (operation -> machine); nn = mlps['operation']
    agg_mach = jnp.zeros((x_mach.shape[0], x_op.shape[1]), x_op.dtype).at[ei_om[1]].add(x_op[ei_om[0]])
    out_mach = _mlp((1.0 + eps_om) * x_mach + agg_mach, p_op)
    # GINConv for edge type (machine -> operation); nn = mlps['machine']
    agg_op = jnp.zeros((x_op.shape[0], x_mach.shape[1]), x_mach.dtype).at[ei_mo[1]].add(x_mach[ei_mo[0]])
    out_op = _mlp((1.0 + eps_mo) * x_op + agg_op, p_mach)
    # HeteroConv aggr='sum': each dst node type receives exactly one edge-type output here
    return (out_op, out_mach)

if __name__ == "__main__":
    import jax
    _d = setup_inputs()
    print(jax.jit(kernel)(*tuple(_d.values())))

</pallas_src>

<mosaic_0001>
#map = affine_map<(d0, d1) -> (0, 0)>
#map1 = affine_map<(d0, d1) -> (0)>
module attributes {stable_mosaic.version = 14 : i64} {
  func.func @k(%arg0: i32, %arg1: i32, %arg2: memref<10000x128xf32, #tpu.memory_space<hbm>>, %arg3: memref<10000x128xf32, #tpu.memory_space<hbm>>, %arg4: memref<160000xi32, #tpu.memory_space<hbm>>, %arg5: memref<160000xi32, #tpu.memory_space<hbm>>, %arg6: memref<160000xi32, #tpu.memory_space<hbm>>, %arg7: memref<160000xi32, #tpu.memory_space<hbm>>, %arg8: memref<20000x128xf32, #tpu.memory_space<hbm>>, %arg9: memref<10000xi32, #tpu.memory_space<vmem>>, %arg10: memref<3x96xi32, #tpu.memory_space<vmem>>, %arg11: memref<1x16xi32, #tpu.memory_space<vmem>>, %arg12: memref<96x128xf32, #tpu.memory_space<vmem>>, %arg13: memref<96x128xf32, #tpu.memory_space<vmem>>, %arg14: memref<96x128xf32, #tpu.memory_space<vmem>>, %arg15: memref<10000x128xf32, #tpu.memory_space<vmem_shared>>, %arg16: memref<!tpu.dma_semaphore, #tpu.memory_space<semaphore_mem>>, %arg17: memref<!tpu.dma_semaphore, #tpu.memory_space<semaphore_mem>>, %arg18: memref<!tpu.dma_semaphore, #tpu.memory_space<semaphore_mem>>, %arg19: memref<!tpu.dma_semaphore, #tpu.memory_space<semaphore_mem>>, %arg20: memref<!tpu.dma_semaphore, #tpu.memory_space<semaphore_mem>>, %arg21: memref<!tpu.dma_semaphore, #tpu.memory_space<semaphore_mem>>, %arg22: memref<!tpu.dma_semaphore, #tpu.memory_space<semaphore_mem>>, %arg23: memref<!tpu.dma_semaphore, #tpu.memory_space<semaphore_mem>>) attributes {dimension_semantics = [#tpu.dimension_semantics<core_parallel>, #tpu.dimension_semantics<subcore_parallel>], iteration_bounds = array<i64: 2, 16>, scalar_prefetch = 0 : i64, scratch_operands = 15 : i64, tpu.core_type = #tpu.core_type<sc_vector_subcore>, window_params = [{transform_indices = #map}, {transform_indices = #map}, {transform_indices = #map1}, {transform_indices = #map1}, {transform_indices = #map1}, {transform_indices = #map1}, {transform_indices = #map}]} {
    %eq3A = arith.constant 0 : i32
    %eq3A_0 = arith.cmpi eq, %arg0, %eq3A : i32
    %convert_element_type3A = arith.extui %eq3A_0 : i1 to i32
    %cond3A = arith.constant 0 : i32
    %cond3A_1 = arith.cmpi ne, %convert_element_type3A, %cond3A : i32
    scf.if %cond3A_1 {
      %mul3A = arith.constant 10000 : i32
      %mul3A_7 = arith.muli %arg1, %mul3A : i32
      %dma_start3A = tpu.memref_slice %arg4[%mul3A_7] : memref<160000xi32, #tpu.memory_space<hbm>> -> memref<10000xi32, #tpu.memory_space<hbm>>
      %dma_start3A_8 = tpu.memref_slice %arg4[%mul3A_7] : memref<160000xi32, #tpu.memory_space<hbm>> -> memref<10000xi32, #tpu.memory_space<hbm>>
      tpu.enqueue_dma source(%dma_start3A_8 : memref<10000xi32, #tpu.memory_space<hbm>>) target(%arg9 : memref<10000xi32, #tpu.memory_space<vmem>>) target_semaphore(%arg22 : memref<!tpu.dma_semaphore, #tpu.memory_space<semaphore_mem>>)
      %lt3A = arith.constant 15 : i32
      %lt3A_9 = arith.cmpi slt, %arg1, %lt3A : i32
      %convert_element_type3A_10 = arith.extui %lt3A_9 : i1 to i32
      %cond3A_11 = arith.constant 0 : i32
      %cond3A_12 = arith.cmpi ne, %convert_element_type3A_10, %cond3A_11 : i32
      scf.if %cond3A_12 {
        %mul3A_145 = arith.constant 632 : i32
        %mul3A_146 = arith.muli %arg1, %mul3A_145 : i32
        %mul3A_147 = arith.constant 632 : i32
        %mul3A_148 = arith.muli %arg1, %mul3A_147 : i32
        %dma_start3A_149 = arith.constant 0 : i32
        %dma_start3A_150 = tpu.memref_slice %arg15[%mul3A_148, %dma_start3A_149] : memref<10000x128xf32, #tpu.memory_space<vmem_shared>> -> memref<632x128xf32, #tpu.memory_space<vmem_shared>>
        %dma_start3A_151 = arith.constant 0 : i32
        %dma_start3A_152 = tpu.memref_slice %arg3[%mul3A_146, %dma_start3A_151] : memref<10000x128xf32, #tpu.memory_space<hbm>> -> memref<632x128xf32, #tpu.memory_space<hbm>>
        tpu.enqueue_dma source(%dma_start3A_152 : memref<632x128xf32, #tpu.memory_space<hbm>>) target(%dma_start3A_150 : memref<632x128xf32, #tpu.memory_space<vmem_shared>>) target_semaphore(%arg23 : memref<!tpu.dma_semaphore, #tpu.memory_space<semaphore_mem>>)
      } else {
      }
      %eq3A_13 = arith.constant 15 : i32
      %eq3A_14 = arith.cmpi eq, %arg1, %eq3A_13 : i32
      %convert_element_type3A_15 = arith.extui %eq3A_14 : i1 to i32
      %cond3A_16 = arith.constant 0 : i32
      %cond3A_17 = arith.cmpi ne, %convert_element_type3A_15, %cond3A_16 : i32
      scf.if %cond3A_17 {
        %dma_start3A_145 = arith.constant 9480 : i32
        %dma_start3A_146 = arith.constant 0 : i32
        %dma_start3A_147 = tpu.memref_slice %arg15[%dma_start3A_145, %dma_start3A_146] : memref<10000x128xf32, #tpu.memory_space<vmem_shared>> -> memref<520x128xf32, #tpu.memory_space<vmem_shared>>
        %dma_start3A_148 = arith.constant 9480 : i32
        %dma_start3A_149 = arith.constant 0 : i32
        %dma_start3A_150 = tpu.memref_slice %arg3[%dma_start3A_148, %dma_start3A_149] : memref<10000x128xf32, #tpu.memory_space<hbm>> -> memref<520x128xf32, #tpu.memory_space<hbm>>
        tpu.enqueue_dma source(%dma_start3A_150 : memref<520x128xf32, #tpu.memory_space<hbm>>) target(%dma_start3A_147 : memref<520x128xf32, #tpu.memory_space<vmem_shared>>) target_semaphore(%arg23 : memref<!tpu.dma_semaphore, #tpu.memory_space<semaphore_mem>>)
      } else {
      }
      %dma_wait3A = tpu.memref_slice %arg4[%mul3A_7] : memref<160000xi32, #tpu.memory_space<hbm>> -> memref<10000xi32, #tpu.memory_space<hbm>>
      %dma_wait3A_18 = tpu.memref_slice %arg4[%mul3A_7] : memref<160000xi32, #tpu.memory_space<hbm>> -> memref<10000xi32, #tpu.memory_space<hbm>>
      tpu.wait_dma2 semaphore(%arg22 : memref<!tpu.dma_semaphore, #tpu.memory_space<semaphore_mem>>) src(%dma_wait3A_18 : memref<10000xi32, #tpu.memory_space<hbm>>) dst(%arg9 : memref<10000xi32, #tpu.memory_space<vmem>>)
      %dma_start3A_19 = arith.constant 0 : i32
      %dma_start3A_20 = tpu.memref_slice %arg9[%dma_start3A_19] : memref<10000xi32, #tpu.memory_space<vmem>> -> memref<96xi32, #tpu.memory_space<vmem>>
      %dma_start3A_21 = arith.constant 0 : i32
      %dma_start3A_22 = arith.constant 0 : i32
      %dma_start3A_23 = tpu.memref_slice %arg2[%dma_start3A_21, %dma_start3A_22] : memref<10000x128xf32, #tpu.memory_space<hbm>> -> memref<10000x128xf32, #tpu.memory_space<hbm>>
      tpu.enqueue_indirect_dma source(%dma_start3A_23 : memref<10000x128xf32, #tpu.memory_space<hbm>>) target(%arg12 : memref<96x128xf32, #tpu.memory_space<vmem>>) offsets(%dma_start3A_20 : memref<96xi32, #tpu.memory_space<vmem>>) semaphore(%arg16 : memref<!tpu.dma_semaphore, #tpu.memory_space<semaphore_mem>>)
      %add3A = arith.constant 0 : i32
      %add3A_24 = arith.addi %mul3A_7, %add3A : i32
      %dma_start3A_25 = arith.constant 0 : i32
      %dma_start3A_26 = arith.constant 0 : i32
      %dma_start3A_27 = tpu.memref_slice %arg10[%dma_start3A_25, %dma_start3A_26] : memref<3x96xi32, #tpu.memory_space<vmem>> -> memref<1x96xi32, #tpu.memory_space<vmem>>
      %dma_start3A_28 = tpu.memref_squeeze %dma_start3A_27 : memref<1x96xi32, #tpu.memory_space<vmem>> -> memref<96xi32, #tpu.memory_space<vmem>>
      %dma_start3A_29 = tpu.memref_slice %arg5[%add3A_24] : memref<160000xi32, #tpu.memory_space<hbm>> -> memref<96xi32, #tpu.memory_space<hbm>>
      %dma_start3A_30 = arith.constant 0 : i32
      %dma_start3A_31 = tpu.memref_slice %arg10[%dma_start3A_25, %dma_start3A_30] : memref<3x96xi32, #tpu.memory_space<vmem>> -> memref<1x96xi32, #tpu.memory_space<vmem>>
      %dma_start3A_32 = tpu.memref_squeeze %dma_start3A_31 : memref<1x96xi32, #tpu.memory_space<vmem>> -> memref<96xi32, #tpu.memory_space<vmem>>
      %dma_start3A_33 = tpu.memref_slice %arg5[%add3A_24] : memref<160000xi32, #tpu.memory_space<hbm>> -> memref<96xi32, #tpu.memory_space<hbm>>
      tpu.enqueue_dma source(%dma_start3A_33 : memref<96xi32, #tpu.memory_space<hbm>>) target(%dma_start3A_32 : memref<96xi32, #tpu.memory_space<vmem>>) target_semaphore(%arg19 : memref<!tpu.dma_semaphore, #tpu.memory_space<semaphore_mem>>)
      %dma_start3A_34 = arith.constant 96 : i32
      %dma_start3A_35 = tpu.memref_slice %arg9[%dma_start3A_34] : memref<10000xi32, #tpu.memory_space<vmem>> -> memref<96xi32, #tpu.memory_space<vmem>>
      %dma_start3A_36 = arith.constant 0 : i32
      %dma_start3A_37 = arith.constant 0 : i32
      %dma_start3A_38 = tpu.memref_slice %arg2[%dma_start3A_36, %dma_start3A_37] : memref<10000x128xf32, #tpu.memory_space<hbm>> -> memref<10000x128xf32, #tpu.memory_space<hbm>>
      tpu.enqueue_indirect_dma source(%dma_start3A_38 : memref<10000x128xf32, #tpu.memory_space<hbm>>) target(%arg13 : memref<96x128xf32, #tpu.memory_space<vmem>>) offsets(%dma_start3A_35 : memref<96xi32, #tpu.memory_space<vmem>>) semaphore(%arg17 : memref<!tpu.dma_semaphore, #tpu.memory_space<semaphore_mem>>)
      %add3A_39 = arith.constant 96 : i32
      %add3A_40 = arith.addi %mul3A_7, %add3A_39 : i32
      %dma_start3A_41 = arith.constant 1 : i32
      %dma_start3A_42 = arith.constant 0 : i32
      %dma_start3A_43 = tpu.memref_slice %arg10[%dma_start3A_41, %dma_start3A_42] : memref<3x96xi32, #tpu.memory_space<vmem>> -> memref<1x96xi32, #tpu.memory_space<vmem>>
      %dma_start3A_44 = tpu.memref_squeeze %dma_start3A_43 : memref<1x96xi32, #tpu.memory_space<vmem>> -> memref<96xi32, #tpu.memory_space<vmem>>
      %dma_start3A_45 = tpu.memref_slice %arg5[%add3A_40] : memref<160000xi32, #tpu.memory_space<hbm>> -> memref<96xi32, #tpu.memory_space<hbm>>
      %dma_start3A_46 = arith.constant 0 : i32
      %dma_start3A_47 = tpu.memref_slice %arg10[%dma_start3A_41, %dma_start3A_46] : memref<3x96xi32, #tpu.memory_space<vmem>> -> memref<1x96xi32, #tpu.memory_space<vmem>>
      %dma_start3A_48 = tpu.memref_squeeze %dma_start3A_47 : memref<1x96xi32, #tpu.memory_space<vmem>> -> memref<96xi32, #tpu.memory_space<vmem>>
      %dma_start3A_49 = tpu.memref_slice %arg5[%add3A_40] : memref<160000xi32, #tpu.memory_space<hbm>> -> memref<96xi32, #tpu.memory_space<hbm>>
      tpu.enqueue_dma source(%dma_start3A_49 : memref<96xi32, #tpu.memory_space<hbm>>) target(%dma_start3A_48 : memref<96xi32, #tpu.memory_space<vmem>>) target_semaphore(%arg20 : memref<!tpu.dma_semaphore, #tpu.memory_space<semaphore_mem>>)
      %dma_start3A_50 = arith.constant 192 : i32
      %dma_start3A_51 = tpu.memref_slice %arg9[%dma_start3A_50] : memref<10000xi32, #tpu.memory_space<vmem>> -> memref<96xi32, #tpu.memory_space<vmem>>
      %dma_start3A_52 = arith.constant 0 : i32
      %dma_start3A_53 = arith.constant 0 : i32
      %dma_start3A_54 = tpu.memref_slice %arg2[%dma_start3A_52, %dma_start3A_53] : memref<10000x128xf32, #tpu.memory_space<hbm>> -> memref<10000x128xf32, #tpu.memory_space<hbm>>
      tpu.enqueue_indirect_dma source(%dma_start3A_54 : memref<10000x128xf32, #tpu.memory_space<hbm>>) target(%arg14 : memref<96x128xf32, #tpu.memory_space<vmem>>) offsets(%dma_start3A_51 : memref<96xi32, #tpu.memory_space<vmem>>) semaphore(%arg18 : memref<!tpu.dma_semaphore, #tpu.memory_space<semaphore_mem>>)
      %add3A_55 = arith.constant 192 : i32
      %add3A_56 = arith.addi %mul3A_7, %add3A_55 : i32
      %dma_start3A_57 = arith.constant 2 : i32
      %dma_start3A_58 = arith.constant 0 : i32
      %dma_start3A_59 = tpu.memref_slice %arg10[%dma_start3A_57, %dma_start3A_58] : memref<3x96xi32, #tpu.memory_space<vmem>> -> memref<1x96xi32, #tpu.memory_space<vmem>>
      %dma_start3A_60 = tpu.memref_squeeze %dma_start3A_59 : memref<1x96xi32, #tpu.memory_space<vmem>> -> memref<96xi32, #tpu.memory_space<vmem>>
      %dma_start3A_61 = tpu.memref_slice %arg5[%add3A_56] : memref<160000xi32, #tpu.memory_space<hbm>> -> memref<96xi32, #tpu.memory_space<hbm>>
      %dma_start3A_62 = arith.constant 0 : i32
      %dma_start3A_63 = tpu.memref_slice %arg10[%dma_start3A_57, %dma_start3A_62] : memref<3x96xi32, #tpu.memory_space<vmem>> -> memref<1x96xi32, #tpu.memory_space<vmem>>
      %dma_start3A_64 = tpu.memref_squeeze %dma_start3A_63 : memref<1x96xi32, #tpu.memory_space<vmem>> -> memref<96xi32, #tpu.memory_space<vmem>>
      %dma_start3A_65 = tpu.memref_slice %arg5[%add3A_56] : memref<160000xi32, #tpu.memory_space<hbm>> -> memref<96xi32, #tpu.memory_space<hbm>>
      tpu.enqueue_dma source(%dma_start3A_65 : memref<96xi32, #tpu.memory_space<hbm>>) target(%dma_start3A_64 : memref<96xi32, #tpu.memory_space<vmem>>) target_semaphore(%arg21 : memref<!tpu.dma_semaphore, #tpu.memory_space<semaphore_mem>>)
      %lt3A_66 = arith.constant 15 : i32
      %lt3A_67 = arith.cmpi slt, %arg1, %lt3A_66 : i32
      %convert_element_type3A_68 = arith.extui %lt3A_67 : i1 to i32
      %cond3A_69 = arith.constant 0 : i32
      %cond3A_70 = arith.cmpi ne, %convert_element_type3A_68, %cond3A_69 : i32
      scf.if %cond3A_70 {
        %mul3A_145 = arith.constant 632 : i32
        %mul3A_146 = arith.muli %arg1, %mul3A_145 : i32
        %mul3A_147 = arith.constant 632 : i32
        %mul3A_148 = arith.muli %arg1, %mul3A_147 : i32
        %dma_wait3A_149 = arith.constant 0 : i32
        %dma_wait3A_150 = tpu.memref_slice %arg15[%mul3A_148, %dma_wait3A_149] : memref<10000x128xf32, #tpu.memory_space<vmem_shared>> -> memref<632x128xf32, #tpu.memory_space<vmem_shared>>
        %dma_wait3A_151 = arith.constant 0 : i32
        %dma_wait3A_152 = tpu.memref_slice %arg3[%mul3A_146, %dma_wait3A_151] : memref<10000x128xf32, #tpu.memory_space<hbm>> -> memref<632x128xf32, #tpu.memory_space<hbm>>
        tpu.wait_dma2 semaphore(%arg23 : memref<!tpu.dma_semaphore, #tpu.memory_space<semaphore_mem>>) src(%dma_wait3A_152 : memref<632x128xf32, #tpu.memory_space<hbm>>) dst(%dma_wait3A_150 : memref<632x128xf32, #tpu.memory_space<vmem_shared>>)
      } else {
      }
      %eq3A_71 = arith.constant 15 : i32
      %eq3A_72 = arith.cmpi eq, %arg1, %eq3A_71 : i32
      %convert_element_type3A_73 = arith.extui %eq3A_72 : i1 to i32
      %cond3A_74 = arith.constant 0 : i32
      %cond3A_75 = arith.cmpi ne, %convert_element_type3A_73, %cond3A_74 : i32
      scf.if %cond3A_75 {
        %dma_wait3A_145 = arith.constant 9480 : i32
        %dma_wait3A_146 = arith.constant 0 : i32
        %dma_wait3A_147 = tpu.memref_slice %arg15[%dma_wait3A_145, %dma_wait3A_146] : memref<10000x128xf32, #tpu.memory_space<vmem_shared>> -> memref<520x128xf32, #tpu.memory_space<vmem_shared>>
        %dma_wait3A_148 = arith.constant 9480 : i32
        %dma_wait3A_149 = arith.constant 0 : i32
        %dma_wait3A_150 = tpu.memref_slice %arg3[%dma_wait3A_148, %dma_wait3A_149] : memref<10000x128xf32, #tpu.memory_space<hbm>> -> memref<520x128xf32, #tpu.memory_space<hbm>>
        tpu.wait_dma2 semaphore(%arg23 : memref<!tpu.dma_semaphore, #tpu.memory_space<semaphore_mem>>) src(%dma_wait3A_150 : memref<520x128xf32, #tpu.memory_space<hbm>>) dst(%dma_wait3A_147 : memref<520x128xf32, #tpu.memory_space<vmem_shared>>)
      } else {
      }
      %barrier3A = arith.constant 0 : index
      tpu.barrier barrier_id(%barrier3A)
      %scan3A = arith.constant 0 : i32
      %scan3A_76 = arith.constant 0 : i32
      %scan3A_77 = arith.constant 34 : i32
      %scan3A_78 = arith.addi %scan3A_76, %scan3A_77 : i32
      %scan3A_79 = arith.constant 1 : i32
      scf.for %scan3A_145 = %scan3A_76 to %scan3A_78 step %scan3A_79  : i32 {
        %mul3A_146 = arith.constant 3 : i32
        %mul3A_147 = arith.muli %mul3A_146, %scan3A_145 : i32
        %add3A_148 = arith.constant 0 : i32
        %add3A_149 = arith.addi %mul3A_147, %add3A_148 : i32
        %mul3A_150 = arith.constant 96 : i32
        %mul3A_151 = arith.muli %add3A_149, %mul3A_150 : i32
        %dma_wait3A_152 = tpu.memref_slice %arg9[%mul3A_151] : memref<10000xi32, #tpu.memory_space<vmem>> -> memref<96xi32, #tpu.memory_space<vmem>>
        %dma_wait3A_153 = arith.constant 0 : i32
        %dma_wait3A_154 = arith.constant 0 : i32
        %dma_wait3A_155 = tpu.memref_slice %arg2[%dma_wait3A_153, %dma_wait3A_154] : memref<10000x128xf32, #tpu.memory_space<hbm>> -> memref<10000x128xf32, #tpu.memory_space<hbm>>
        tpu.wait_indirect_dma semaphore(%arg16 : memref<!tpu.dma_semaphore, #tpu.memory_space<semaphore_mem>>) src(%dma_wait3A_155 : memref<10000x128xf32, #tpu.memory_space<hbm>>) dst(%arg12 : memref<96x128xf32, #tpu.memory_space<vmem>>)
        %mul3A_156 = arith.constant 96 : i32
        %mul3A_157 = arith.muli %add3A_149, %mul3A_156 : i32
        %add3A_158 = arith.addi %mul3A_7, %mul3A_157 : i32
        %dma_wait3A_159 = arith.constant 0 : i32
        %dma_wait3A_160 = arith.constant 0 : i32
        %dma_wait3A_161 = tpu.memref_slice %arg10[%dma_wait3A_159, %dma_wait3A_160] : memref<3x96xi32, #tpu.memory_space<vmem>> -> memref<1x96xi32, #tpu.memory_space<vmem>>
        %dma_wait3A_162 = tpu.memref_squeeze %dma_wait3A_161 : memref<1x96xi32, #tpu.memory_space<vmem>> -> memref<96xi32, #tpu.memory_space<vmem>>
        %dma_wait3A_163 = tpu.memref_slice %arg5[%add3A_158] : memref<160000xi32, #tpu.memory_space<hbm>> -> memref<96xi32, #tpu.memory_space<hbm>>
        %dma_wait3A_164 = arith.constant 0 : i32
        %dma_wait3A_165 = tpu.memref_slice %arg10[%dma_wait3A_159, %dma_wait3A_164] : memref<3x96xi32, #tpu.memory_space<vmem>> -> memref<1x96xi32, #tpu.memory_space<vmem>>
        %dma_wait3A_166 = tpu.memref_squeeze %dma_wait3A_165 : memref<1x96xi32, #tpu.memory_space<vmem>> -> memref<96xi32, #tpu.memory_space<vmem>>
        %dma_wait3A_167 = tpu.memref_slice %arg5[%add3A_158] : memref<160000xi32, #tpu.memory_space<hbm>> -> memref<96xi32, #tpu.memory_space<hbm>>
        tpu.wait_dma2 semaphore(%arg19 : memref<!tpu.dma_semaphore, #tpu.memory_space<semaphore_mem>>) src(%dma_wait3A_167 : memref<96xi32, #tpu.memory_space<hbm>>) dst(%dma_wait3A_166 : memref<96xi32, #tpu.memory_space<vmem>>)
        %run_scoped3A_168 = arith.constant 0 : i32
        "tpu.region"() ({
          %run_scoped3A_232 = tpu.sem_alloc : memref<!tpu.dma_semaphore, #tpu.memory_space<semaphore_mem>>
          %dma_start3A_233 = arith.constant 0 : i32
          %dma_start3A_234 = tpu.memref_slice %arg10[%run_scoped3A_168, %dma_start3A_233] : memref<3x96xi32, #tpu.memory_space<vmem>> -> memref<1x96xi32, #tpu.memory_space<vmem>>
          %dma_start3A_235 = tpu.memref_squeeze %dma_start3A_234 : memref<1x96xi32, #tpu.memory_space<vmem>> -> memref<96xi32, #tpu.memory_space<vmem>>
          %dma_start3A_236 = arith.constant 0 : i32
          %dma_start3A_237 = arith.constant 0 : i32
          %dma_start3A_238 = tpu.memref_slice %arg15[%dma_start3A_236, %dma_start3A_237] : memref<10000x128xf32, #tpu.memory_space<vmem_shared>> -> memref<10000x128xf32, #tpu.memory_space<vmem_shared>>
          tpu.enqueue_indirect_dma source(%arg12 : memref<96x128xf32, #tpu.memory_space<vmem>>) target(%dma_start3A_238 : memref<10000x128xf32, #tpu.memory_space<vmem_shared>>) offsets(%dma_start3A_235 : memref<96xi32, #tpu.memory_space<vmem>>) semaphore(%run_scoped3A_232 : memref<!tpu.dma_semaphore, #tpu.memory_space<semaphore_mem>>) {add = true}
          %dma_wait3A_239 = arith.constant 0 : i32
          %dma_wait3A_240 = tpu.memref_slice %arg10[%run_scoped3A_168, %dma_wait3A_239] : memref<3x96xi32, #tpu.memory_space<vmem>> -> memref<1x96xi32, #tpu.memory_space<vmem>>
          %dma_wait3A_241 = tpu.memref_squeeze %dma_wait3A_240 : memref<1x96xi32, #tpu.memory_space<vmem>> -> memref<96xi32, #tpu.memory_space<vmem>>
          %dma_wait3A_242 = arith.constant 0 : i32
          %dma_wait3A_243 = arith.constant 0 : i32
          %dma_wait3A_244 = tpu.memref_slice %arg15[%dma_wait3A_242, %dma_wait3A_243] : memref<10000x128xf32, #tpu.memory_space<vmem_shared>> -> memref<10000x128xf32, #tpu.memory_space<vmem_shared>>
          tpu.wait_indirect_dma semaphore(%run_scoped3A_232 : memref<!tpu.dma_semaphore, #tpu.memory_space<semaphore_mem>>) src(%arg12 : memref<96x128xf32, #tpu.memory_space<vmem>>) dst(%dma_wait3A_244 : memref<10000x128xf32, #tpu.memory_space<vmem_shared>>)
          tpu.yield
        }) : () -> ()
        %add3A_169 = arith.constant 3 : i32
        %add3A_170 = arith.addi %add3A_149, %add3A_169 : i32
        %lt3A_171 = arith.constant 104 : i32
        %lt3A_172 = arith.cmpi slt, %add3A_170, %lt3A_171 : i32
        %convert_element_type3A_173 = arith.extui %lt3A_172 : i1 to i32
        %cond3A_174 = arith.constant 0 : i32
        %cond3A_175 = arith.cmpi ne, %convert_element_type3A_173, %cond3A_174 : i32
        scf.if %cond3A_175 {
          %add3A_232 = arith.constant 3 : i32
          %add3A_233 = arith.addi %add3A_149, %add3A_232 : i32
          %mul3A_234 = arith.constant 96 : i32
          %mul3A_235 = arith.muli %add3A_233, %mul3A_234 : i32
          %dma_start3A_236 = tpu.memref_slice %arg9[%mul3A_235] : memref<10000xi32, #tpu.memory_space<vmem>> -> memref<96xi32, #tpu.memory_space<vmem>>
          %dma_start3A_237 = arith.constant 0 : i32
          %dma_start3A_238 = arith.constant 0 : i32
          %dma_start3A_239 = tpu.memref_slice %arg2[%dma_start3A_237, %dma_start3A_238] : memref<10000x128xf32, #tpu.memory_space<hbm>> -> memref<10000x128xf32, #tpu.memory_space<hbm>>
          tpu.enqueue_indirect_dma source(%dma_start3A_239 : memref<10000x128xf32, #tpu.memory_space<hbm>>) target(%arg12 : memref<96x128xf32, #tpu.memory_space<vmem>>) offsets(%dma_start3A_236 : memref<96xi32, #tpu.memory_space<vmem>>) semaphore(%arg16 : memref<!tpu.dma_semaphore, #tpu.memory_space<semaphore_mem>>)
          %add3A_240 = arith.constant 3 : i32
          %add3A_241 = arith.addi %add3A_149, %add3A_240 : i32
          %mul3A_242 = arith.constant 96 : i32
          %mul3A_243 = arith.muli %add3A_241, %mul3A_242 : i32
          %add3A_244 = arith.addi %mul3A_7, %mul3A_243 : i32
          %dma_start3A_245 = arith.constant 0 : i32
          %dma_start3A_246 = arith.constant 0 : i32
          %dma_start3A_247 = tpu.memref_slice %arg10[%dma_start3A_245, %dma_start3A_246] : memref<3x96xi32, #tpu.memory_space<vmem>> -> memref<1x96xi32, #tpu.memory_space<vmem>>
          %dma_start3A_248 = tpu.memref_squeeze %dma_start3A_247 : memref<1x96xi32, #tpu.memory_space<vmem>> -> memref<96xi32, #tpu.memory_space<vmem>>
          %dma_start3A_249 = tpu.memref_slice %arg5[%add3A_244] : memref<160000xi32, #tpu.memory_space<hbm>> -> memref<96xi32, #tpu.memory_space<hbm>>
          %dma_start3A_250 = arith.constant 0 : i32
          %dma_start3A_251 = tpu.memref_slice %arg10[%dma_start3A_245, %dma_start3A_250] : memref<3x96xi32, #tpu.memory_space<vmem>> -> memref<1x96xi32, #tpu.memory_space<vmem>>
          %dma_start3A_252 = tpu.memref_squeeze %dma_start3A_251 : memref<1x96xi32, #tpu.memory_space<vmem>> -> memref<96xi32, #tpu.memory_space<vmem>>
          %dma_start3A_253 = tpu.memref_slice %arg5[%add3A_244] : memref<160000xi32, #tpu.memory_space<hbm>> -> memref<96xi32, #tpu.memory_space<hbm>>
          tpu.enqueue_dma source(%dma_start3A_253 : memref<96xi32, #tpu.memory_space<hbm>>) target(%dma_start3A_252 : memref<96xi32, #tpu.memory_space<vmem>>) target_semaphore(%arg19 : memref<!tpu.dma_semaphore, #tpu.memory_space<semaphore_mem>>)
        } else {
        }
        %add3A_176 = arith.constant 1 : i32
        %add3A_177 = arith.addi %mul3A_147, %add3A_176 : i32
        %mul3A_178 = arith.constant 96 : i32
        %mul3A_179 = arith.muli %add3A_177, %mul3A_178 : i32
        %dma_wait3A_180 = tpu.memref_slice %arg9[%mul3A_179] : memref<10000xi32, #tpu.memory_space<vmem>> -> memref<96xi32, #tpu.memory_space<vmem>>
        %dma_wait3A_181 = arith.constant 0 : i32
        %dma_wait3A_182 = arith.constant 0 : i32
        %dma_wait3A_183 = tpu.memref_slice %arg2[%dma_wait3A_181, %dma_wait3A_182] : memref<10000x128xf32, #tpu.memory_space<hbm>> -> memref<10000x128xf32, #tpu.memory_space<hbm>>
        tpu.wait_indirect_dma semaphore(%arg17 : memref<!tpu.dma_semaphore, #tpu.memory_space<semaphore_mem>>) src(%dma_wait3A_183 : memref<10000x128xf32, #tpu.memory_space<hbm>>) dst(%arg13 : memref<96x128xf32, #tpu.memory_space<vmem>>)
        %mul3A_184 = arith.constant 96 : i32
        %mul3A_185 = arith.muli %add3A_177, %mul3A_184 : i32
        %add3A_186 = arith.addi %mul3A_7, %mul3A_185 : i32
        %dma_wait3A_187 = arith.constant 1 : i32
        %dma_wait3A_188 = arith.constant 0 : i32
        %dma_wait3A_189 = tpu.memref_slice %arg10[%dma_wait3A_187, %dma_wait3A_188] : memref<3x96xi32, #tpu.memory_space<vmem>> -> memref<1x96xi32, #tpu.memory_space<vmem>>
        %dma_wait3A_190 = tpu.memref_squeeze %dma_wait3A_189 : memref<1x96xi32, #tpu.memory_space<vmem>> -> memref<96xi32, #tpu.memory_space<vmem>>
        %dma_wait3A_191 = tpu.memref_slice %arg5[%add3A_186] : memref<160000xi32, #tpu.memory_space<hbm>> -> memref<96xi32, #tpu.memory_space<hbm>>
        %dma_wait3A_192 = arith.constant 0 : i32
        %dma_wait3A_193 = tpu.memref_slice %arg10[%dma_wait3A_187, %dma_wait3A_192] : memref<3x96xi32, #tpu.memory_space<vmem>> -> memref<1x96xi32, #tpu.memory_space<vmem>>
        %dma_wait3A_194 = tpu.memref_squeeze %dma_wait3A_193 : memref<1x96xi32, #tpu.memory_space<vmem>> -> memref<96xi32, #tpu.memory_space<vmem>>
        %dma_wait3A_195 = tpu.memref_slice %arg5[%add3A_186] : memref<160000xi32, #tpu.memory_space<hbm>> -> memref<96xi32, #tpu.memory_space<hbm>>
        tpu.wait_dma2 semaphore(%arg20 : memref<!tpu.dma_semaphore, #tpu.memory_space<semaphore_mem>>) src(%dma_wait3A_195 : memref<96xi32, #tpu.memory_space<hbm>>) dst(%dma_wait3A_194 : memref<96xi32, #tpu.memory_space<vmem>>)
        %run_scoped3A_196 = arith.constant 1 : i32
        "tpu.region"() ({
          %run_scoped3A_232 = tpu.sem_alloc : memref<!tpu.dma_semaphore, #tpu.memory_space<semaphore_mem>>
          %dma_start3A_233 = arith.constant 0 : i32
          %dma_start3A_234 = tpu.memref_slice %arg10[%run_scoped3A_196, %dma_start3A_233] : memref<3x96xi32, #tpu.memory_space<vmem>> -> memref<1x96xi32, #tpu.memory_space<vmem>>
          %dma_start3A_235 = tpu.memref_squeeze %dma_start3A_234 : memref<1x96xi32, #tpu.memory_space<vmem>> -> memref<96xi32, #tpu.memory_space<vmem>>
          %dma_start3A_236 = arith.constant 0 : i32
          %dma_start3A_237 = arith.constant 0 : i32
          %dma_start3A_238 = tpu.memref_slice %arg15[%dma_start3A_236, %dma_start3A_237] : memref<10000x128xf32, #tpu.memory_space<vmem_shared>> -> memref<10000x128xf32, #tpu.memory_space<vmem_shared>>
          tpu.enqueue_indirect_dma source(%arg13 : memref<96x128xf32, #tpu.memory_space<vmem>>) target(%dma_start3A_238 : memref<10000x128xf32, #tpu.memory_space<vmem_shared>>) offsets(%dma_start3A_235 : memref<96xi32, #tpu.memory_space<vmem>>) semaphore(%run_scoped3A_232 : memref<!tpu.dma_semaphore, #tpu.memory_space<semaphore_mem>>) {add = true}
          %dma_wait3A_239 = arith.constant 0 : i32
          %dma_wait3A_240 = tpu.memref_slice %arg10[%run_scoped3A_196, %dma_wait3A_239] : memref<3x96xi32, #tpu.memory_space<vmem>> -> memref<1x96xi32, #tpu.memory_space<vmem>>
          %dma_wait3A_241 = tpu.memref_squeeze %dma_wait3A_240 : memref<1x96xi32, #tpu.memory_space<vmem>> -> memref<96xi32, #tpu.memory_space<vmem>>
          %dma_wait3A_242 = arith.constant 0 : i32
          %dma_wait3A_243 = arith.constant 0 : i32
          %dma_wait3A_244 = tpu.memref_slice %arg15[%dma_wait3A_242, %dma_wait3A_243] : memref<10000x128xf32, #tpu.memory_space<vmem_shared>> -> memref<10000x128xf32, #tpu.memory_space<vmem_shared>>
          tpu.wait_indirect_dma semaphore(%run_scoped3A_232 : memref<!tpu.dma_semaphore, #tpu.memory_space<semaphore_mem>>) src(%arg13 : memref<96x128xf32, #tpu.memory_space<vmem>>) dst(%dma_wait3A_244 : memref<10000x128xf32, #tpu.memory_space<vmem_shared>>)
          tpu.yield
        }) : () -> ()
        %add3A_197 = arith.constant 3 : i32
        %add3A_198 = arith.addi %add3A_177, %add3A_197 : i32
        %lt3A_199 = arith.constant 104 : i32
        %lt3A_200 = arith.cmpi slt, %add3A_198, %lt3A_199 : i32
        %convert_element_type3A_201 = arith.extui %lt3A_200 : i1 to i32
        %cond3A_202 = arith.constant 0 : i32
        %cond3A_203 = arith.cmpi ne, %convert_element_type3A_201, %cond3A_202 : i32
        scf.if %cond3A_203 {
          %add3A_232 = arith.constant 3 : i32
          %add3A_233 = arith.addi %add3A_177, %add3A_232 : i32
          %mul3A_234 = arith.constant 96 : i32
          %mul3A_235 = arith.muli %add3A_233, %mul3A_234 : i32
          %dma_start3A_236 = tpu.memref_slice %arg9[%mul3A_235] : memref<10000xi32, #tpu.memory_space<vmem>> -> memref<96xi32, #tpu.memory_space<vmem>>
          %dma_start3A_237 = arith.constant 0 : i32
          %dma_start3A_238 = arith.constant 0 : i32
          %dma_start3A_239 = tpu.memref_slice %arg2[%dma_start3A_237, %dma_start3A_238] : memref<10000x128xf32, #tpu.memory_space<hbm>> -> memref<10000x128xf32, #tpu.memory_space<hbm>>
          tpu.enqueue_indirect_dma source(%dma_start3A_239 : memref<10000x128xf32, #tpu.memory_space<hbm>>) target(%arg13 : memref<96x128xf32, #tpu.memory_space<vmem>>) offsets(%dma_start3A_236 : memref<96xi32, #tpu.memory_space<vmem>>) semaphore(%arg17 : memref<!tpu.dma_semaphore, #tpu.memory_space<semaphore_mem>>)
          %add3A_240 = arith.constant 3 : i32
          %add3A_241 = arith.addi %add3A_177, %add3A_240 : i32
          %mul3A_242 = arith.constant 96 : i32
          %mul3A_243 = arith.muli %add3A_241, %mul3A_242 : i32
          %add3A_244 = arith.addi %mul3A_7, %mul3A_243 : i32
          %dma_start3A_245 = arith.constant 1 : i32
          %dma_start3A_246 = arith.constant 0 : i32
          %dma_start3A_247 = tpu.memref_slice %arg10[%dma_start3A_245, %dma_start3A_246] : memref<3x96xi32, #tpu.memory_space<vmem>> -> memref<1x96xi32, #tpu.memory_space<vmem>>
          %dma_start3A_248 = tpu.memref_squeeze %dma_start3A_247 : memref<1x96xi32, #tpu.memory_space<vmem>> -> memref<96xi32, #tpu.memory_space<vmem>>
          %dma_start3A_249 = tpu.memref_slice %arg5[%add3A_244] : memref<160000xi32, #tpu.memory_space<hbm>> -> memref<96xi32, #tpu.memory_space<hbm>>
          %dma_start3A_250 = arith.constant 0 : i32
          %dma_start3A_251 = tpu.memref_slice %arg10[%dma_start3A_245, %dma_start3A_250] : memref<3x96xi32, #tpu.memory_space<vmem>> -> memref<1x96xi32, #tpu.memory_space<vmem>>
          %dma_start3A_252 = tpu.memref_squeeze %dma_start3A_251 : memref<1x96xi32, #tpu.memory_space<vmem>> -> memref<96xi32, #tpu.memory_space<vmem>>
          %dma_start3A_253 = tpu.memref_slice %arg5[%add3A_244] : memref<160000xi32, #tpu.memory_space<hbm>> -> memref<96xi32, #tpu.memory_space<hbm>>
          tpu.enqueue_dma source(%dma_start3A_253 : memref<96xi32, #tpu.memory_space<hbm>>) target(%dma_start3A_252 : memref<96xi32, #tpu.memory_space<vmem>>) target_semaphore(%arg20 : memref<!tpu.dma_semaphore, #tpu.memory_space<semaphore_mem>>)
        } else {
        }
        %add3A_204 = arith.constant 2 : i32
        %add3A_205 = arith.addi %mul3A_147, %add3A_204 : i32
        %mul3A_206 = arith.constant 96 : i32
        %mul3A_207 = arith.muli %add3A_205, %mul3A_206 : i32
        %dma_wait3A_208 = tpu.memref_slice %arg9[%mul3A_207] : memref<10000xi32, #tpu.memory_space<vmem>> -> memref<96xi32, #tpu.memory_space<vmem>>
        %dma_wait3A_209 = arith.constant 0 : i32
        %dma_wait3A_210 = arith.constant 0 : i32
        %dma_wait3A_211 = tpu.memref_slice %arg2[%dma_wait3A_209, %dma_wait3A_210] : memref<10000x128xf32, #tpu.memory_space<hbm>> -> memref<10000x128xf32, #tpu.memory_space<hbm>>
        tpu.wait_indirect_dma semaphore(%arg18 : memref<!tpu.dma_semaphore, #tpu.memory_space<semaphore_mem>>) src(%dma_wait3A_211 : memref<10000x128xf32, #tpu.memory_space<hbm>>) dst(%arg14 : memref<96x128xf32, #tpu.memory_space<vmem>>)
        %mul3A_212 = arith.constant 96 : i32
        %mul3A_213 = arith.muli %add3A_205, %mul3A_212 : i32
        %add3A_214 = arith.addi %mul3A_7, %mul3A_213 : i32
        %dma_wait3A_215 = arith.constant 2 : i32
        %dma_wait3A_216 = arith.constant 0 : i32
        %dma_wait3A_217 = tpu.memref_slice %arg10[%dma_wait3A_215, %dma_wait3A_216] : memref<3x96xi32, #tpu.memory_space<vmem>> -> memref<1x96xi32, #tpu.memory_space<vmem>>
        %dma_wait3A_218 = tpu.memref_squeeze %dma_wait3A_217 : memref<1x96xi32, #tpu.memory_space<vmem>> -> memref<96xi32, #tpu.memory_space<vmem>>
        %dma_wait3A_219 = tpu.memref_slice %arg5[%add3A_214] : memref<160000xi32, #tpu.memory_space<hbm>> -> memref<96xi32, #tpu.memory_space<hbm>>
        %dma_wait3A_220 = arith.constant 0 : i32
        %dma_wait3A_221 = tpu.memref_slice %arg10[%dma_wait3A_215, %dma_wait3A_220] : memref<3x96xi32, #tpu.memory_space<vmem>> -> memref<1x96xi32, #tpu.memory_space<vmem>>
        %dma_wait3A_222 = tpu.memref_squeeze %dma_wait3A_221 : memref<1x96xi32, #tpu.memory_space<vmem>> -> memref<96xi32, #tpu.memory_space<vmem>>
        %dma_wait3A_223 = tpu.memref_slice %arg5[%add3A_214] : memref<160000xi32, #tpu.memory_space<hbm>> -> memref<96xi32, #tpu.memory_space<hbm>>
        tpu.wait_dma2 semaphore(%arg21 : memref<!tpu.dma_semaphore, #tpu.memory_space<semaphore_mem>>) src(%dma_wait3A_223 : memref<96xi32, #tpu.memory_space<hbm>>) dst(%dma_wait3A_222 : memref<96xi32, #tpu.memory_space<vmem>>)
        %run_scoped3A_224 = arith.constant 2 : i32
        "tpu.region"() ({
          %run_scoped3A_232 = tpu.sem_alloc : memref<!tpu.dma_semaphore, #tpu.memory_space<semaphore_mem>>
          %dma_start3A_233 = arith.constant 0 : i32
          %dma_start3A_234 = tpu.memref_slice %arg10[%run_scoped3A_224, %dma_start3A_233] : memref<3x96xi32, #tpu.memory_space<vmem>> -> memref<1x96xi32, #tpu.memory_space<vmem>>
          %dma_start3A_235 = tpu.memref_squeeze %dma_start3A_234 : memref<1x96xi32, #tpu.memory_space<vmem>> -> memref<96xi32, #tpu.memory_space<vmem>>
          %dma_start3A_236 = arith.constant 0 : i32
          %dma_start3A_237 = arith.constant 0 : i32
          %dma_start3A_238 = tpu.memref_slice %arg15[%dma_start3A_236, %dma_start3A_237] : memref<10000x128xf32, #tpu.memory_space<vmem_shared>> -> memref<10000x128xf32, #tpu.memory_space<vmem_shared>>
          tpu.enqueue_indirect_dma source(%arg14 : memref<96x128xf32, #tpu.memory_space<vmem>>) target(%dma_start3A_238 : memref<10000x128xf32, #tpu.memory_space<vmem_shared>>) offsets(%dma_start3A_235 : memref<96xi32, #tpu.memory_space<vmem>>) semaphore(%run_scoped3A_232 : memref<!tpu.dma_semaphore, #tpu.memory_space<semaphore_mem>>) {add = true}
          %dma_wait3A_239 = arith.constant 0 : i32
          %dma_wait3A_240 = tpu.memref_slice %arg10[%run_scoped3A_224, %dma_wait3A_239] : memref<3x96xi32, #tpu.memory_space<vmem>> -> memref<1x96xi32, #tpu.memory_space<vmem>>
          %dma_wait3A_241 = tpu.memref_squeeze %dma_wait3A_240 : memref<1x96xi32, #tpu.memory_space<vmem>> -> memref<96xi32, #tpu.memory_space<vmem>>
          %dma_wait3A_242 = arith.constant 0 : i32
          %dma_wait3A_243 = arith.constant 0 : i32
          %dma_wait3A_244 = tpu.memref_slice %arg15[%dma_wait3A_242, %dma_wait3A_243] : memref<10000x128xf32, #tpu.memory_space<vmem_shared>> -> memref<10000x128xf32, #tpu.memory_space<vmem_shared>>
          tpu.wait_indirect_dma semaphore(%run_scoped3A_232 : memref<!tpu.dma_semaphore, #tpu.memory_space<semaphore_mem>>) src(%arg14 : memref<96x128xf32, #tpu.memory_space<vmem>>) dst(%dma_wait3A_244 : memref<10000x128xf32, #tpu.memory_space<vmem_shared>>)
          tpu.yield
        }) : () -> ()
        %add3A_225 = arith.constant 3 : i32
        %add3A_226 = arith.addi %add3A_205, %add3A_225 : i32
        %lt3A_227 = arith.constant 104 : i32
        %lt3A_228 = arith.cmpi slt, %add3A_226, %lt3A_227 : i32
        %convert_element_type3A_229 = arith.extui %lt3A_228 : i1 to i32
        %cond3A_230 = arith.constant 0 : i32
        %cond3A_231 = arith.cmpi ne, %convert_element_type3A_229, %cond3A_230 : i32
        scf.if %cond3A_231 {
          %add3A_232 = arith.constant 3 : i32
          %add3A_233 = arith.addi %add3A_205, %add3A_232 : i32
          %mul3A_234 = arith.constant 96 : i32
          %mul3A_235 = arith.muli %add3A_233, %mul3A_234 : i32
          %dma_start3A_236 = tpu.memref_slice %arg9[%mul3A_235] : memref<10000xi32, #tpu.memory_space<vmem>> -> memref<96xi32, #tpu.memory_space<vmem>>
          %dma_start3A_237 = arith.constant 0 : i32
          %dma_start3A_238 = arith.constant 0 : i32
          %dma_start3A_239 = tpu.memref_slice %arg2[%dma_start3A_237, %dma_start3A_238] : memref<10000x128xf32, #tpu.memory_space<hbm>> -> memref<10000x128xf32, #tpu.memory_space<hbm>>
          tpu.enqueue_indirect_dma source(%dma_start3A_239 : memref<10000x128xf32, #tpu.memory_space<hbm>>) target(%arg14 : memref<96x128xf32, #tpu.memory_space<vmem>>) offsets(%dma_start3A_236 : memref<96xi32, #tpu.memory_space<vmem>>) semaphore(%arg18 : memref<!tpu.dma_semaphore, #tpu.memory_space<semaphore_mem>>)
          %add3A_240 = arith.constant 3 : i32
          %add3A_241 = arith.addi %add3A_205, %add3A_240 : i32
          %mul3A_242 = arith.constant 96 : i32
          %mul3A_243 = arith.muli %add3A_241, %mul3A_242 : i32
          %add3A_244 = arith.addi %mul3A_7, %mul3A_243 : i32
          %dma_start3A_245 = arith.constant 2 : i32
          %dma_start3A_246 = arith.constant 0 : i32
          %dma_start3A_247 = tpu.memref_slice %arg10[%dma_start3A_245, %dma_start3A_246] : memref<3x96xi32, #tpu.memory_space<vmem>> -> memref<1x96xi32, #tpu.memory_space<vmem>>
          %dma_start3A_248 = tpu.memref_squeeze %dma_start3A_247 : memref<1x96xi32, #tpu.memory_space<vmem>> -> memref<96xi32, #tpu.memory_space<vmem>>
          %dma_start3A_249 = tpu.memref_slice %arg5[%add3A_244] : memref<160000xi32, #tpu.memory_space<hbm>> -> memref<96xi32, #tpu.memory_space<hbm>>
          %dma_start3A_250 = arith.constant 0 : i32
          %dma_start3A_251 = tpu.memref_slice %arg10[%dma_start3A_245, %dma_start3A_250] : memref<3x96xi32, #tpu.memory_space<vmem>> -> memref<1x96xi32, #tpu.memory_space<vmem>>
          %dma_start3A_252 = tpu.memref_squeeze %dma_start3A_251 : memref<1x96xi32, #tpu.memory_space<vmem>> -> memref<96xi32, #tpu.memory_space<vmem>>
          %dma_start3A_253 = tpu.memref_slice %arg5[%add3A_244] : memref<160000xi32, #tpu.memory_space<hbm>> -> memref<96xi32, #tpu.memory_space<hbm>>
          tpu.enqueue_dma source(%dma_start3A_253 : memref<96xi32, #tpu.memory_space<hbm>>) target(%dma_start3A_252 : memref<96xi32, #tpu.memory_space<vmem>>) target_semaphore(%arg21 : memref<!tpu.dma_semaphore, #tpu.memory_space<semaphore_mem>>)
        } else {
        }
      }
      %scan3A_80 = arith.constant 34 : i32
      %dma_wait3A_81 = arith.constant 9792 : i32
      %dma_wait3A_82 = tpu.memref_slice %arg9[%dma_wait3A_81] : memref<10000xi32, #tpu.memory_space<vmem>> -> memref<96xi32, #tpu.memory_space<vmem>>
      %dma_wait3A_83 = arith.constant 0 : i32
      %dma_wait3A_84 = arith.constant 0 : i32
      %dma_wait3A_85 = tpu.memref_slice %arg2[%dma_wait3A_83, %dma_wait3A_84] : memref<10000x128xf32, #tpu.memory_space<hbm>> -> memref<10000x128xf32, #tpu.memory_space<hbm>>
      tpu.wait_indirect_dma semaphore(%arg16 : memref<!tpu.dma_semaphore, #tpu.memory_space<semaphore_mem>>) src(%dma_wait3A_85 : memref<10000x128xf32, #tpu.memory_space<hbm>>) dst(%arg12 : memref<96x128xf32, #tpu.memory_space<vmem>>)
      %add3A_86 = arith.constant 9792 : i32
      %add3A_87 = arith.addi %mul3A_7, %add3A_86 : i32
      %dma_wait3A_88 = arith.constant 0 : i32
      %dma_wait3A_89 = arith.constant 0 : i32
      %dma_wait3A_90 = tpu.memref_slice %arg10[%dma_wait3A_88, %dma_wait3A_89] : memref<3x96xi32, #tpu.memory_space<vmem>> -> memref<1x96xi32, #tpu.memory_space<vmem>>
      %dma_wait3A_91 = tpu.memref_squeeze %dma_wait3A_90 : memref<1x96xi32, #tpu.memory_space<vmem>> -> memref<96xi32, #tpu.memory_space<vmem>>
      %dma_wait3A_92 = tpu.memref_slice %arg5[%add3A_87] : memref<160000xi32, #tpu.memory_space<hbm>> -> memref<96xi32, #tpu.memory_space<hbm>>
      %dma_wait3A_93 = arith.constant 0 : i32
      %dma_wait3A_94 = tpu.memref_slice %arg10[%dma_wait3A_88, %dma_wait3A_93] : memref<3x96xi32, #tpu.memory_space<vmem>> -> memref<1x96xi32, #tpu.memory_space<vmem>>
      %dma_wait3A_95 = tpu.memref_squeeze %dma_wait3A_94 : memref<1x96xi32, #tpu.memory_space<vmem>> -> memref<96xi32, #tpu.memory_space<vmem>>
      %dma_wait3A_96 = tpu.memref_slice %arg5[%add3A_87] : memref<160000xi32, #tpu.memory_space<hbm>> -> memref<96xi32, #tpu.memory_space<hbm>>
      tpu.wait_dma2 semaphore(%arg19 : memref<!tpu.dma_semaphore, #tpu.memory_space<semaphore_mem>>) src(%dma_wait3A_96 : memref<96xi32, #tpu.memory_space<hbm>>) dst(%dma_wait3A_95 : memref<96xi32, #tpu.memory_space<vmem>>)
      %run_scoped3A = arith.constant 0 : i32
      "tpu.region"() ({
        %run_scoped3A_145 = tpu.sem_alloc : memref<!tpu.dma_semaphore, #tpu.memory_space<semaphore_mem>>
        %dma_start3A_146 = arith.constant 0 : i32
        %dma_start3A_147 = tpu.memref_slice %arg10[%run_scoped3A, %dma_start3A_146] : memref<3x96xi32, #tpu.memory_space<vmem>> -> memref<1x96xi32, #tpu.memory_space<vmem>>
        %dma_start3A_148 = tpu.memref_squeeze %dma_start3A_147 : memref<1x96xi32, #tpu.memory_space<vmem>> -> memref<96xi32, #tpu.memory_space<vmem>>
        %dma_start3A_149 = arith.constant 0 : i32
        %dma_start3A_150 = arith.constant 0 : i32
        %dma_start3A_151 = tpu.memref_slice %arg15[%dma_start3A_149, %dma_start3A_150] : memref<10000x128xf32, #tpu.memory_space<vmem_shared>> -> memref<10000x128xf32, #tpu.memory_space<vmem_shared>>
        tpu.enqueue_indirect_dma source(%arg12 : memref<96x128xf32, #tpu.memory_space<vmem>>) target(%dma_start3A_151 : memref<10000x128xf32, #tpu.memory_space<vmem_shared>>) offsets(%dma_start3A_148 : memref<96xi32, #tpu.memory_space<vmem>>) semaphore(%run_scoped3A_145 : memref<!tpu.dma_semaphore, #tpu.memory_space<semaphore_mem>>) {add = true}
        %dma_wait3A_152 = arith.constant 0 : i32
        %dma_wait3A_153 = tpu.memref_slice %arg10[%run_scoped3A, %dma_wait3A_152] : memref<3x96xi32, #tpu.memory_space<vmem>> -> memref<1x96xi32, #tpu.memory_space<vmem>>
        %dma_wait3A_154 = tpu.memref_squeeze %dma_wait3A_153 : memref<1x96xi32, #tpu.memory_space<vmem>> -> memref<96xi32, #tpu.memory_space<vmem>>
        %dma_wait3A_155 = arith.constant 0 : i32
        %dma_wait3A_156 = arith.constant 0 : i32
        %dma_wait3A_157 = tpu.memref_slice %arg15[%dma_wait3A_155, %dma_wait3A_156] : memref<10000x128xf32, #tpu.memory_space<vmem_shared>> -> memref<10000x128xf32, #tpu.memory_space<vmem_shared>>
        tpu.wait_indirect_dma semaphore(%run_scoped3A_145 : memref<!tpu.dma_semaphore, #tpu.memory_space<semaphore_mem>>) src(%arg12 : memref<96x128xf32, #tpu.memory_space<vmem>>) dst(%dma_wait3A_157 : memref<10000x128xf32, #tpu.memory_space<vmem_shared>>)
        tpu.yield
      }) : () -> ()
      %dma_wait3A_97 = arith.constant 9888 : i32
      %dma_wait3A_98 = tpu.memref_slice %arg9[%dma_wait3A_97] : memref<10000xi32, #tpu.memory_space<vmem>> -> memref<96xi32, #tpu.memory_space<vmem>>
      %dma_wait3A_99 = arith.constant 0 : i32
      %dma_wait3A_100 = arith.constant 0 : i32
      %dma_wait3A_101 = tpu.memref_slice %arg2[%dma_wait3A_99, %dma_wait3A_100] : memref<10000x128xf32, #tpu.memory_space<hbm>> -> memref<10000x128xf32, #tpu.memory_space<hbm>>
      tpu.wait_indirect_dma semaphore(%arg17 : memref<!tpu.dma_semaphore, #tpu.memory_space<semaphore_mem>>) src(%dma_wait3A_101 : memref<10000x128xf32, #tpu.memory_space<hbm>>) dst(%arg13 : memref<96x128xf32, #tpu.memory_space<vmem>>)
      %add3A_102 = arith.constant 9888 : i32
      %add3A_103 = arith.addi %mul3A_7, %add3A_102 : i32
      %dma_wait3A_104 = arith.constant 1 : i32
      %dma_wait3A_105 = arith.constant 0 : i32
      %dma_wait3A_106 = tpu.memref_slice %arg10[%dma_wait3A_104, %dma_wait3A_105] : memref<3x96xi32, #tpu.memory_space<vmem>> -> memref<1x96xi32, #tpu.memory_space<vmem>>
      %dma_wait3A_107 = tpu.memref_squeeze %dma_wait3A_106 : memref<1x96xi32, #tpu.memory_space<vmem>> -> memref<96xi32, #tpu.memory_space<vmem>>
      %dma_wait3A_108 = tpu.memref_slice %arg5[%add3A_103] : memref<160000xi32, #tpu.memory_space<hbm>> -> memref<96xi32, #tpu.memory_space<hbm>>
      %dma_wait3A_109 = arith.constant 0 : i32
      %dma_wait3A_110 = tpu.memref_slice %arg10[%dma_wait3A_104, %dma_wait3A_109] : memref<3x96xi32, #tpu.memory_space<vmem>> -> memref<1x96xi32, #tpu.memory_space<vmem>>
      %dma_wait3A_111 = tpu.memref_squeeze %dma_wait3A_110 : memref<1x96xi32, #tpu.memory_space<vmem>> -> memref<96xi32, #tpu.memory_space<vmem>>
      %dma_wait3A_112 = tpu.memref_slice %arg5[%add3A_103] : memref<160000xi32, #tpu.memory_space<hbm>> -> memref<96xi32, #tpu.memory_space<hbm>>
      tpu.wait_dma2 semaphore(%arg20 : memref<!tpu.dma_semaphore, #tpu.memory_space<semaphore_mem>>) src(%dma_wait3A_112 : memref<96xi32, #tpu.memory_space<hbm>>) dst(%dma_wait3A_111 : memref<96xi32, #tpu.memory_space<vmem>>)
      %run_scoped3A_113 = arith.constant 1 : i32
      "tpu.region"() ({
        %run_scoped3A_145 = tpu.sem_alloc : memref<!tpu.dma_semaphore, #tpu.memory_space<semaphore_mem>>
        %dma_start3A_146 = arith.constant 0 : i32
        %dma_start3A_147 = tpu.memref_slice %arg10[%run_scoped3A_113, %dma_start3A_146] : memref<3x96xi32, #tpu.memory_space<vmem>> -> memref<1x96xi32, #tpu.memory_space<vmem>>
        %dma_start3A_148 = tpu.memref_squeeze %dma_start3A_147 : memref<1x96xi32, #tpu.memory_space<vmem>> -> memref<96xi32, #tpu.memory_space<vmem>>
        %dma_start3A_149 = arith.constant 0 : i32
        %dma_start3A_150 = arith.constant 0 : i32
        %dma_start3A_151 = tpu.memref_slice %arg15[%dma_start3A_149, %dma_start3A_150] : memref<10000x128xf32, #tpu.memory_space<vmem_shared>> -> memref<10000x128xf32, #tpu.memory_space<vmem_shared>>
        tpu.enqueue_indirect_dma source(%arg13 : memref<96x128xf32, #tpu.memory_space<vmem>>) target(%dma_start3A_151 : memref<10000x128xf32, #tpu.memory_space<vmem_shared>>) offsets(%dma_start3A_148 : memref<96xi32, #tpu.memory_space<vmem>>) semaphore(%run_scoped3A_145 : memref<!tpu.dma_semaphore, #tpu.memory_space<semaphore_mem>>) {add = true}
        %dma_wait3A_152 = arith.constant 0 : i32
        %dma_wait3A_153 = tpu.memref_slice %arg10[%run_scoped3A_113, %dma_wait3A_152] : memref<3x96xi32, #tpu.memory_space<vmem>> -> memref<1x96xi32, #tpu.memory_space<vmem>>
        %dma_wait3A_154 = tpu.memref_squeeze %dma_wait3A_153 : memref<1x96xi32, #tpu.memory_space<vmem>> -> memref<96xi32, #tpu.memory_space<vmem>>
        %dma_wait3A_155 = arith.constant 0 : i32
        %dma_wait3A_156 = arith.constant 0 : i32
        %dma_wait3A_157 = tpu.memref_slice %arg15[%dma_wait3A_155, %dma_wait3A_156] : memref<10000x128xf32, #tpu.memory_space<vmem_shared>> -> memref<10000x128xf32, #tpu.memory_space<vmem_shared>>
        tpu.wait_indirect_dma semaphore(%run_scoped3A_145 : memref<!tpu.dma_semaphore, #tpu.memory_space<semaphore_mem>>) src(%arg13 : memref<96x128xf32, #tpu.memory_space<vmem>>) dst(%dma_wait3A_157 : memref<10000x128xf32, #tpu.memory_space<vmem_shared>>)
        tpu.yield
      }) : () -> ()
      %dma_start3A_114 = arith.constant 0 : i32
      %dma_start3A_115 = arith.constant 0 : i32
      %dma_start3A_116 = tpu.memref_slice %arg14[%dma_start3A_114, %dma_start3A_115] : memref<96x128xf32, #tpu.memory_space<vmem>> -> memref<16x128xf32, #tpu.memory_space<vmem>>
      %dma_start3A_117 = arith.constant 9984 : i32
      %dma_start3A_118 = tpu.memref_slice %arg9[%dma_start3A_117] : memref<10000xi32, #tpu.memory_space<vmem>> -> memref<16xi32, #tpu.memory_space<vmem>>
      %dma_start3A_119 = arith.constant 0 : i32
      %dma_start3A_120 = arith.constant 0 : i32
      %dma_start3A_121 = tpu.memref_slice %arg2[%dma_start3A_119, %dma_start3A_120] : memref<10000x128xf32, #tpu.memory_space<hbm>> -> memref<10000x128xf32, #tpu.memory_space<hbm>>
      tpu.enqueue_indirect_dma source(%dma_start3A_121 : memref<10000x128xf32, #tpu.memory_space<hbm>>) target(%dma_start3A_116 : memref<16x128xf32, #tpu.memory_space<vmem>>) offsets(%dma_start3A_118 : memref<16xi32, #tpu.memory_space<vmem>>) semaphore(%arg18 : memref<!tpu.dma_semaphore, #tpu.memory_space<semaphore_mem>>)
      %add3A_122 = arith.constant 9984 : i32
      %add3A_123 = arith.addi %mul3A_7, %add3A_122 : i32
      %run_scoped3A_124 = arith.constant 0 : i32
      "tpu.region"() ({
        %run_scoped3A_145 = tpu.sem_alloc : memref<!tpu.dma_semaphore, #tpu.memory_space<semaphore_mem>>
        %dma_start3A_146 = arith.constant 0 : i32
        %dma_start3A_147 = tpu.memref_slice %arg11[%run_scoped3A_124, %dma_start3A_146] : memref<1x16xi32, #tpu.memory_space<vmem>> -> memref<1x16xi32, #tpu.memory_space<vmem>>
        %dma_start3A_148 = tpu.memref_squeeze %dma_start3A_147 : memref<1x16xi32, #tpu.memory_space<vmem>> -> memref<16xi32, #tpu.memory_space<vmem>>
        %dma_start3A_149 = tpu.memref_slice %arg5[%add3A_123] : memref<160000xi32, #tpu.memory_space<hbm>> -> memref<16xi32, #tpu.memory_space<hbm>>
        %dma_start3A_150 = arith.constant 0 : i32
        %dma_start3A_151 = tpu.memref_slice %arg11[%run_scoped3A_124, %dma_start3A_150] : memref<1x16xi32, #tpu.memory_space<vmem>> -> memref<1x16xi32, #tpu.memory_space<vmem>>
        %dma_start3A_152 = tpu.memref_squeeze %dma_start3A_151 : memref<1x16xi32, #tpu.memory_space<vmem>> -> memref<16xi32, #tpu.memory_space<vmem>>
        %dma_start3A_153 = tpu.memref_slice %arg5[%add3A_123] : memref<160000xi32, #tpu.memory_space<hbm>> -> memref<16xi32, #tpu.memory_space<hbm>>
        tpu.enqueue_dma source(%dma_start3A_153 : memref<16xi32, #tpu.memory_space<hbm>>) target(%dma_start3A_152 : memref<16xi32, #tpu.memory_space<vmem>>) target_semaphore(%run_scoped3A_145 : memref<!tpu.dma_semaphore, #tpu.memory_space<semaphore_mem>>)
        %dma_wait3A_154 = arith.constant 0 : i32
        %dma_wait3A_155 = tpu.memref_slice %arg11[%run_scoped3A_124, %dma_wait3A_154] : memref<1x16xi32, #tpu.memory_space<vmem>> -> memref<1x16xi32, #tpu.memory_space<vmem>>
        %dma_wait3A_156 = tpu.memref_squeeze %dma_wait3A_155 : memref<1x16xi32, #tpu.memory_space<vmem>> -> memref<16xi32, #tpu.memory_space<vmem>>
        %dma_wait3A_157 = tpu.memref_slice %arg5[%add3A_123] : memref<160000xi32, #tpu.memory_space<hbm>> -> memref<16xi32, #tpu.memory_space<hbm>>
        %dma_wait3A_158 = arith.constant 0 : i32
        %dma_wait3A_159 = tpu.memref_slice %arg11[%run_scoped3A_124, %dma_wait3A_158] : memref<1x16xi32, #tpu.memory_space<vmem>> -> memref<1x16xi32, #tpu.memory_space<vmem>>
        %dma_wait3A_160 = tpu.memref_squeeze %dma_wait3A_159 : memref<1x16xi32, #tpu.memory_space<vmem>> -> memref<16xi32, #tpu.memory_space<vmem>>
        %dma_wait3A_161 = tpu.memref_slice %arg5[%add3A_123] : memref<160000xi32, #tpu.memory_space<hbm>> -> memref<16xi32, #tpu.memory_space<hbm>>
        tpu.wait_dma2 semaphore(%run_scoped3A_145 : memref<!tpu.dma_semaphore, #tpu.memory_space<semaphore_mem>>) src(%dma_wait3A_161 : memref<16xi32, #tpu.memory_space<hbm>>) dst(%dma_wait3A_160 : memref<16xi32, #tpu.memory_space<vmem>>)
        tpu.yield
      }) : () -> ()
      %dma_wait3A_125 = arith.constant 0 : i32
      %dma_wait3A_126 = arith.constant 0 : i32
      %dma_wait3A_127 = tpu.memref_slice %arg14[%dma_wait3A_125, %dma_wait3A_126] : memref<96x128xf32, #tpu.memory_space<vmem>> -> memref<16x128xf32, #tpu.memory_space<vmem>>
      %dma_wait3A_128 = arith.constant 9984 : i32
      %dma_wait3A_129 = tpu.memref_slice %arg9[%dma_wait3A_128] : memref<10000xi32, #tpu.memory_space<vmem>> -> memref<16xi32, #tpu.memory_space<vmem>>
      %dma_wait3A_130 = arith.constant 0 : i32
      %dma_wait3A_131 = arith.constant 0 : i32
      %dma_wait3A_132 = tpu.memref_slice %arg2[%dma_wait3A_130, %dma_wait3A_131] : memref<10000x128xf32, #tpu.memory_space<hbm>> -> memref<10000x128xf32, #tpu.memory_space<hbm>>
      tpu.wait_indirect_dma semaphore(%arg18 : memref<!tpu.dma_semaphore, #tpu.memory_space<semaphore_mem>>) src(%dma_wait3A_132 : memref<10000x128xf32, #tpu.memory_space<hbm>>) dst(%dma_wait3A_127 : memref<16x128xf32, #tpu.memory_space<vmem>>)
      %run_scoped3A_133 = arith.constant 0 : i32
      "tpu.region"() ({
        %run_scoped3A_145 = tpu.sem_alloc : memref<!tpu.dma_semaphore, #tpu.memory_space<semaphore_mem>>
        %dma_start3A_146 = arith.constant 0 : i32
        %dma_start3A_147 = arith.constant 0 : i32
        %dma_start3A_148 = tpu.memref_slice %arg14[%dma_start3A_146, %dma_start3A_147] : memref<96x128xf32, #tpu.memory_space<vmem>> -> memref<16x128xf32, #tpu.memory_space<vmem>>
        %dma_start3A_149 = arith.constant 0 : i32
        %dma_start3A_150 = tpu.memref_slice %arg11[%run_scoped3A_133, %dma_start3A_149] : memref<1x16xi32, #tpu.memory_space<vmem>> -> memref<1x16xi32, #tpu.memory_space<vmem>>
        %dma_start3A_151 = tpu.memref_squeeze %dma_start3A_150 : memref<1x16xi32, #tpu.memory_space<vmem>> -> memref<16xi32, #tpu.memory_space<vmem>>
        %dma_start3A_152 = arith.constant 0 : i32
        %dma_start3A_153 = arith.constant 0 : i32
        %dma_start3A_154 = tpu.memref_slice %arg15[%dma_start3A_152, %dma_start3A_153] : memref<10000x128xf32, #tpu.memory_space<vmem_shared>> -> memref<10000x128xf32, #tpu.memory_space<vmem_shared>>
        tpu.enqueue_indirect_dma source(%dma_start3A_148 : memref<16x128xf32, #tpu.memory_space<vmem>>) target(%dma_start3A_154 : memref<10000x128xf32, #tpu.memory_space<vmem_shared>>) offsets(%dma_start3A_151 : memref<16xi32, #tpu.memory_space<vmem>>) semaphore(%run_scoped3A_145 : memref<!tpu.dma_semaphore, #tpu.memory_space<semaphore_mem>>) {add = true}
        %dma_wait3A_155 = arith.constant 0 : i32
        %dma_wait3A_156 = arith.constant 0 : i32
        %dma_wait3A_157 = tpu.memref_slice %arg14[%dma_wait3A_155, %dma_wait3A_156] : memref<96x128xf32, #tpu.memory_space<vmem>> -> memref<16x128xf32, #tpu.memory_space<vmem>>
        %dma_wait3A_158 = arith.constant 0 : i32
        %dma_wait3A_159 = tpu.memref_slice %arg11[%run_scoped3A_133, %dma_wait3A_158] : memref<1x16xi32, #tpu.memory_space<vmem>> -> memref<1x16xi32, #tpu.memory_space<vmem>>
        %dma_wait3A_160 = tpu.memref_squeeze %dma_wait3A_159 : memref<1x16xi32, #tpu.memory_space<vmem>> -> memref<16xi32, #tpu.memory_space<vmem>>
        %dma_wait3A_161 = arith.constant 0 : i32
        %dma_wait3A_162 = arith.constant 0 : i32
        %dma_wait3A_163 = tpu.memref_slice %arg15[%dma_wait3A_161, %dma_wait3A_162] : memref<10000x128xf32, #tpu.memory_space<vmem_shared>> -> memref<10000x128xf32, #tpu.memory_space<vmem_shared>>
        tpu.wait_indirect_dma semaphore(%run_scoped3A_145 : memref<!tpu.dma_semaphore, #tpu.memory_space<semaphore_mem>>) src(%dma_wait3A_157 : memref<16x128xf32, #tpu.memory_space<vmem>>) dst(%dma_wait3A_163 : memref<10000x128xf32, #tpu.memory_space<vmem_shared>>)
        tpu.yield
      }) : () -> ()
      %barrier3A_134 = arith.constant 0 : index
      tpu.barrier barrier_id(%barrier3A_134)
      %lt3A_135 = arith.constant 15 : i32
      %lt3A_136 = arith.cmpi slt, %arg1, %lt3A_135 : i32
      %convert_element_type3A_137 = arith.extui %lt3A_136 : i1 to i32
      %cond3A_138 = arith.constant 0 : i32
      %cond3A_139 = arith.cmpi ne, %convert_element_type3A_137, %cond3A_138 : i32
      scf.if %cond3A_139 {
        %mul3A_145 = arith.constant 632 : i32
        %mul3A_146 = arith.muli %arg1, %mul3A_145 : i32
        %mul3A_147 = arith.constant 10000 : i32
        %mul3A_148 = arith.muli %arg0, %mul3A_147 : i32
        %mul3A_149 = arith.constant 632 : i32
        %mul3A_150 = arith.muli %arg1, %mul3A_149 : i32
        %add3A_151 = arith.addi %mul3A_148, %mul3A_150 : i32
        "tpu.region"() ({
          %run_scoped3A_152 = tpu.sem_alloc : memref<!tpu.dma_semaphore, #tpu.memory_space<semaphore_mem>>
          %dma_start3A_153 = arith.constant 0 : i32
          %dma_start3A_154 = tpu.memref_slice %arg8[%add3A_151, %dma_start3A_153] : memref<20000x128xf32, #tpu.memory_space<hbm>> -> memref<632x128xf32, #tpu.memory_space<hbm>>
          %dma_start3A_155 = arith.constant 0 : i32
          %dma_start3A_156 = tpu.memref_slice %arg15[%mul3A_146, %dma_start3A_155] : memref<10000x128xf32, #tpu.memory_space<vmem_shared>> -> memref<632x128xf32, #tpu.memory_space<vmem_shared>>
          tpu.enqueue_dma source(%dma_start3A_156 : memref<632x128xf32, #tpu.memory_space<vmem_shared>>) target(%dma_start3A_154 : memref<632x128xf32, #tpu.memory_space<hbm>>) target_semaphore(%run_scoped3A_152 : memref<!tpu.dma_semaphore, #tpu.memory_space<semaphore_mem>>)
          %dma_wait3A_157 = arith.constant 0 : i32
          %dma_wait3A_158 = tpu.memref_slice %arg8[%add3A_151, %dma_wait3A_157] : memref<20000x128xf32, #tpu.memory_space<hbm>> -> memref<632x128xf32, #tpu.memory_space<hbm>>
          %dma_wait3A_159 = arith.constant 0 : i32
          %dma_wait3A_160 = tpu.memref_slice %arg15[%mul3A_146, %dma_wait3A_159] : memref<10000x128xf32, #tpu.memory_space<vmem_shared>> -> memref<632x128xf32, #tpu.memory_space<vmem_shared>>
          tpu.wait_dma2 semaphore(%run_scoped3A_152 : memref<!tpu.dma_semaphore, #tpu.memory_space<semaphore_mem>>) src(%dma_wait3A_160 : memref<632x128xf32, #tpu.memory_space<vmem_shared>>) dst(%dma_wait3A_158 : memref<632x128xf32, #tpu.memory_space<hbm>>)
          tpu.yield
        }) : () -> ()
      } else {
      }
      %eq3A_140 = arith.constant 15 : i32
      %eq3A_141 = arith.cmpi eq, %arg1, %eq3A_140 : i32
      %convert_element_type3A_142 = arith.extui %eq3A_141 : i1 to i32
      %cond3A_143 = arith.constant 0 : i32
      %cond3A_144 = arith.cmpi ne, %convert_element_type3A_142, %cond3A_143 : i32
      scf.if %cond3A_144 {
        %mul3A_145 = arith.constant 10000 : i32
        %mul3A_146 = arith.muli %arg0, %mul3A_145 : i32
        %add3A_147 = arith.constant 9480 : i32
        %add3A_148 = arith.addi %mul3A_146, %add3A_147 : i32
        "tpu.region"() ({
          %run_scoped3A_149 = tpu.sem_alloc : memref<!tpu.dma_semaphore, #tpu.memory_space<semaphore_mem>>
          %dma_start3A_150 = arith.constant 0 : i32
          %dma_start3A_151 = tpu.memref_slice %arg8[%add3A_148, %dma_start3A_150] : memref<20000x128xf32, #tpu.memory_space<hbm>> -> memref<520x128xf32, #tpu.memory_space<hbm>>
          %dma_start3A_152 = arith.constant 9480 : i32
          %dma_start3A_153 = arith.constant 0 : i32
          %dma_start3A_154 = tpu.memref_slice %arg15[%dma_start3A_152, %dma_start3A_153] : memref<10000x128xf32, #tpu.memory_space<vmem_shared>> -> memref<520x128xf32, #tpu.memory_space<vmem_shared>>
          tpu.enqueue_dma source(%dma_start3A_154 : memref<520x128xf32, #tpu.memory_space<vmem_shared>>) target(%dma_start3A_151 : memref<520x128xf32, #tpu.memory_space<hbm>>) target_semaphore(%run_scoped3A_149 : memref<!tpu.dma_semaphore, #tpu.memory_space<semaphore_mem>>)
          %dma_wait3A_155 = arith.constant 0 : i32
          %dma_wait3A_156 = tpu.memref_slice %arg8[%add3A_148, %dma_wait3A_155] : memref<20000x128xf32, #tpu.memory_space<hbm>> -> memref<520x128xf32, #tpu.memory_space<hbm>>
          %dma_wait3A_157 = arith.constant 9480 : i32
          %dma_wait3A_158 = arith.constant 0 : i32
          %dma_wait3A_159 = tpu.memref_slice %arg15[%dma_wait3A_157, %dma_wait3A_158] : memref<10000x128xf32, #tpu.memory_space<vmem_shared>> -> memref<520x128xf32, #tpu.memory_space<vmem_shared>>
          tpu.wait_dma2 semaphore(%run_scoped3A_149 : memref<!tpu.dma_semaphore, #tpu.memory_space<semaphore_mem>>) src(%dma_wait3A_159 : memref<520x128xf32, #tpu.memory_space<vmem_shared>>) dst(%dma_wait3A_156 : memref<520x128xf32, #tpu.memory_space<hbm>>)
          tpu.yield
        }) : () -> ()
      } else {
      }
    } else {
    }
    %eq3A_2 = arith.constant 1 : i32
    %eq3A_3 = arith.cmpi eq, %arg0, %eq3A_2 : i32
    %convert_element_type3A_4 = arith.extui %eq3A_3 : i1 to i32
    %cond3A_5 = arith.constant 0 : i32
    %cond3A_6 = arith.cmpi ne, %convert_element_type3A_4, %cond3A_5 : i32
    scf.if %cond3A_6 {
      %mul3A = arith.constant 10000 : i32
      %mul3A_7 = arith.muli %arg1, %mul3A : i32
      %dma_start3A = tpu.memref_slice %arg6[%mul3A_7] : memref<160000xi32, #tpu.memory_space<hbm>> -> memref<10000xi32, #tpu.memory_space<hbm>>
      %dma_start3A_8 = tpu.memref_slice %arg6[%mul3A_7] : memref<160000xi32, #tpu.memory_space<hbm>> -> memref<10000xi32, #tpu.memory_space<hbm>>
      tpu.enqueue_dma source(%dma_start3A_8 : memref<10000xi32, #tpu.memory_space<hbm>>) target(%arg9 : memref<10000xi32, #tpu.memory_space<vmem>>) target_semaphore(%arg22 : memref<!tpu.dma_semaphore, #tpu.memory_space<semaphore_mem>>)
      %lt3A = arith.constant 15 : i32
      %lt3A_9 = arith.cmpi slt, %arg1, %lt3A : i32
      %convert_element_type3A_10 = arith.extui %lt3A_9 : i1 to i32
      %cond3A_11 = arith.constant 0 : i32
      %cond3A_12 = arith.cmpi ne, %convert_element_type3A_10, %cond3A_11 : i32
      scf.if %cond3A_12 {
        %mul3A_145 = arith.constant 632 : i32
        %mul3A_146 = arith.muli %arg1, %mul3A_145 : i32
        %mul3A_147 = arith.constant 632 : i32
        %mul3A_148 = arith.muli %arg1, %mul3A_147 : i32
        %dma_start3A_149 = arith.constant 0 : i32
        %dma_start3A_150 = tpu.memref_slice %arg15[%mul3A_148, %dma_start3A_149] : memref<10000x128xf32, #tpu.memory_space<vmem_shared>> -> memref<632x128xf32, #tpu.memory_space<vmem_shared>>
        %dma_start3A_151 = arith.constant 0 : i32
        %dma_start3A_152 = tpu.memref_slice %arg2[%mul3A_146, %dma_start3A_151] : memref<10000x128xf32, #tpu.memory_space<hbm>> -> memref<632x128xf32, #tpu.memory_space<hbm>>
        tpu.enqueue_dma source(%dma_start3A_152 : memref<632x128xf32, #tpu.memory_space<hbm>>) target(%dma_start3A_150 : memref<632x128xf32, #tpu.memory_space<vmem_shared>>) target_semaphore(%arg23 : memref<!tpu.dma_semaphore, #tpu.memory_space<semaphore_mem>>)
      } else {
      }
      %eq3A_13 = arith.constant 15 : i32
      %eq3A_14 = arith.cmpi eq, %arg1, %eq3A_13 : i32
      %convert_element_type3A_15 = arith.extui %eq3A_14 : i1 to i32
      %cond3A_16 = arith.constant 0 : i32
      %cond3A_17 = arith.cmpi ne, %convert_element_type3A_15, %cond3A_16 : i32
      scf.if %cond3A_17 {
        %dma_start3A_145 = arith.constant 9480 : i32
        %dma_start3A_146 = arith.constant 0 : i32
        %dma_start3A_147 = tpu.memref_slice %arg15[%dma_start3A_145, %dma_start3A_146] : memref<10000x128xf32, #tpu.memory_space<vmem_shared>> -> memref<520x128xf32, #tpu.memory_space<vmem_shared>>
        %dma_start3A_148 = arith.constant 9480 : i32
        %dma_start3A_149 = arith.constant 0 : i32
        %dma_start3A_150 = tpu.memref_slice %arg2[%dma_start3A_148, %dma_start3A_149] : memref<10000x128xf32, #tpu.memory_space<hbm>> -> memref<520x128xf32, #tpu.memory_space<hbm>>
        tpu.enqueue_dma source(%dma_start3A_150 : memref<520x128xf32, #tpu.memory_space<hbm>>) target(%dma_start3A_147 : memref<520x128xf32, #tpu.memory_space<vmem_shared>>) target_semaphore(%arg23 : memref<!tpu.dma_semaphore, #tpu.memory_space<semaphore_mem>>)
      } else {
      }
      %dma_wait3A = tpu.memref_slice %arg6[%mul3A_7] : memref<160000xi32, #tpu.memory_space<hbm>> -> memref<10000xi32, #tpu.memory_space<hbm>>
      %dma_wait3A_18 = tpu.memref_slice %arg6[%mul3A_7] : memref<160000xi32, #tpu.memory_space<hbm>> -> memref<10000xi32, #tpu.memory_space<hbm>>
      tpu.wait_dma2 semaphore(%arg22 : memref<!tpu.dma_semaphore, #tpu.memory_space<semaphore_mem>>) src(%dma_wait3A_18 : memref<10000xi32, #tpu.memory_space<hbm>>) dst(%arg9 : memref<10000xi32, #tpu.memory_space<vmem>>)
      %dma_start3A_19 = arith.constant 0 : i32
      %dma_start3A_20 = tpu.memref_slice %arg9[%dma_start3A_19] : memref<10000xi32, #tpu.memory_space<vmem>> -> memref<96xi32, #tpu.memory_space<vmem>>
      %dma_start3A_21 = arith.constant 0 : i32
      %dma_start3A_22 = arith.constant 0 : i32
      %dma_start3A_23 = tpu.memref_slice %arg3[%dma_start3A_21, %dma_start3A_22] : memref<10000x128xf32, #tpu.memory_space<hbm>> -> memref<10000x128xf32, #tpu.memory_space<hbm>>
      tpu.enqueue_indirect_dma source(%dma_start3A_23 : memref<10000x128xf32, #tpu.memory_space<hbm>>) target(%arg12 : memref<96x128xf32, #tpu.memory_space<vmem>>) offsets(%dma_start3A_20 : memref<96xi32, #tpu.memory_space<vmem>>) semaphore(%arg16 : memref<!tpu.dma_semaphore, #tpu.memory_space<semaphore_mem>>)
      %add3A = arith.constant 0 : i32
      %add3A_24 = arith.addi %mul3A_7, %add3A : i32
      %dma_start3A_25 = arith.constant 0 : i32
      %dma_start3A_26 = arith.constant 0 : i32
      %dma_start3A_27 = tpu.memref_slice %arg10[%dma_start3A_25, %dma_start3A_26] : memref<3x96xi32, #tpu.memory_space<vmem>> -> memref<1x96xi32, #tpu.memory_space<vmem>>
      %dma_start3A_28 = tpu.memref_squeeze %dma_start3A_27 : memref<1x96xi32, #tpu.memory_space<vmem>> -> memref<96xi32, #tpu.memory_space<vmem>>
      %dma_start3A_29 = tpu.memref_slice %arg7[%add3A_24] : memref<160000xi32, #tpu.memory_space<hbm>> -> memref<96xi32, #tpu.memory_space<hbm>>
      %dma_start3A_30 = arith.constant 0 : i32
      %dma_start3A_31 = tpu.memref_slice %arg10[%dma_start3A_25, %dma_start3A_30] : memref<3x96xi32, #tpu.memory_space<vmem>> -> memref<1x96xi32, #tpu.memory_space<vmem>>
      %dma_start3A_32 = tpu.memref_squeeze %dma_start3A_31 : memref<1x96xi32, #tpu.memory_space<vmem>> -> memref<96xi32, #tpu.memory_space<vmem>>
      %dma_start3A_33 = tpu.memref_slice %arg7[%add3A_24] : memref<160000xi32, #tpu.memory_space<hbm>> -> memref<96xi32, #tpu.memory_space<hbm>>
      tpu.enqueue_dma source(%dma_start3A_33 : memref<96xi32, #tpu.memory_space<hbm>>) target(%dma_start3A_32 : memref<96xi32, #tpu.memory_space<vmem>>) target_semaphore(%arg19 : memref<!tpu.dma_semaphore, #tpu.memory_space<semaphore_mem>>)
      %dma_start3A_34 = arith.constant 96 : i32
      %dma_start3A_35 = tpu.memref_slice %arg9[%dma_start3A_34] : memref<10000xi32, #tpu.memory_space<vmem>> -> memref<96xi32, #tpu.memory_space<vmem>>
      %dma_start3A_36 = arith.constant 0 : i32
      %dma_start3A_37 = arith.constant 0 : i32
      %dma_start3A_38 = tpu.memref_slice %arg3[%dma_start3A_36, %dma_start3A_37] : memref<10000x128xf32, #tpu.memory_space<hbm>> -> memref<10000x128xf32, #tpu.memory_space<hbm>>
      tpu.enqueue_indirect_dma source(%dma_start3A_38 : memref<10000x128xf32, #tpu.memory_space<hbm>>) target(%arg13 : memref<96x128xf32, #tpu.memory_space<vmem>>) offsets(%dma_start3A_35 : memref<96xi32, #tpu.memory_space<vmem>>) semaphore(%arg17 : memref<!tpu.dma_semaphore, #tpu.memory_space<semaphore_mem>>)
      %add3A_39 = arith.constant 96 : i32
      %add3A_40 = arith.addi %mul3A_7, %add3A_39 : i32
      %dma_start3A_41 = arith.constant 1 : i32
      %dma_start3A_42 = arith.constant 0 : i32
      %dma_start3A_43 = tpu.memref_slice %arg10[%dma_start3A_41, %dma_start3A_42] : memref<3x96xi32, #tpu.memory_space<vmem>> -> memref<1x96xi32, #tpu.memory_space<vmem>>
      %dma_start3A_44 = tpu.memref_squeeze %dma_start3A_43 : memref<1x96xi32, #tpu.memory_space<vmem>> -> memref<96xi32, #tpu.memory_space<vmem>>
      %dma_start3A_45 = tpu.memref_slice %arg7[%add3A_40] : memref<160000xi32, #tpu.memory_space<hbm>> -> memref<96xi32, #tpu.memory_space<hbm>>
      %dma_start3A_46 = arith.constant 0 : i32
      %dma_start3A_47 = tpu.memref_slice %arg10[%dma_start3A_41, %dma_start3A_46] : memref<3x96xi32, #tpu.memory_space<vmem>> -> memref<1x96xi32, #tpu.memory_space<vmem>>
      %dma_start3A_48 = tpu.memref_squeeze %dma_start3A_47 : memref<1x96xi32, #tpu.memory_space<vmem>> -> memref<96xi32, #tpu.memory_space<vmem>>
      %dma_start3A_49 = tpu.memref_slice %arg7[%add3A_40] : memref<160000xi32, #tpu.memory_space<hbm>> -> memref<96xi32, #tpu.memory_space<hbm>>
      tpu.enqueue_dma source(%dma_start3A_49 : memref<96xi32, #tpu.memory_space<hbm>>) target(%dma_start3A_48 : memref<96xi32, #tpu.memory_space<vmem>>) target_semaphore(%arg20 : memref<!tpu.dma_semaphore, #tpu.memory_space<semaphore_mem>>)
      %dma_start3A_50 = arith.constant 192 : i32
      %dma_start3A_51 = tpu.memref_slice %arg9[%dma_start3A_50] : memref<10000xi32, #tpu.memory_space<vmem>> -> memref<96xi32, #tpu.memory_space<vmem>>
      %dma_start3A_52 = arith.constant 0 : i32
      %dma_start3A_53 = arith.constant 0 : i32
      %dma_start3A_54 = tpu.memref_slice %arg3[%dma_start3A_52, %dma_start3A_53] : memref<10000x128xf32, #tpu.memory_space<hbm>> -> memref<10000x128xf32, #tpu.memory_space<hbm>>
      tpu.enqueue_indirect_dma source(%dma_start3A_54 : memref<10000x128xf32, #tpu.memory_space<hbm>>) target(%arg14 : memref<96x128xf32, #tpu.memory_space<vmem>>) offsets(%dma_start3A_51 : memref<96xi32, #tpu.memory_space<vmem>>) semaphore(%arg18 : memref<!tpu.dma_semaphore, #tpu.memory_space<semaphore_mem>>)
      %add3A_55 = arith.constant 192 : i32
      %add3A_56 = arith.addi %mul3A_7, %add3A_55 : i32
      %dma_start3A_57 = arith.constant 2 : i32
      %dma_start3A_58 = arith.constant 0 : i32
      %dma_start3A_59 = tpu.memref_slice %arg10[%dma_start3A_57, %dma_start3A_58] : memref<3x96xi32, #tpu.memory_space<vmem>> -> memref<1x96xi32, #tpu.memory_space<vmem>>
      %dma_start3A_60 = tpu.memref_squeeze %dma_start3A_59 : memref<1x96xi32, #tpu.memory_space<vmem>> -> memref<96xi32, #tpu.memory_space<vmem>>
      %dma_start3A_61 = tpu.memref_slice %arg7[%add3A_56] : memref<160000xi32, #tpu.memory_space<hbm>> -> memref<96xi32, #tpu.memory_space<hbm>>
      %dma_start3A_62 = arith.constant 0 : i32
      %dma_start3A_63 = tpu.memref_slice %arg10[%dma_start3A_57, %dma_start3A_62] : memref<3x96xi32, #tpu.memory_space<vmem>> -> memref<1x96xi32, #tpu.memory_space<vmem>>
      %dma_start3A_64 = tpu.memref_squeeze %dma_start3A_63 : memref<1x96xi32, #tpu.memory_space<vmem>> -> memref<96xi32, #tpu.memory_space<vmem>>
      %dma_start3A_65 = tpu.memref_slice %arg7[%add3A_56] : memref<160000xi32, #tpu.memory_space<hbm>> -> memref<96xi32, #tpu.memory_space<hbm>>
      tpu.enqueue_dma source(%dma_start3A_65 : memref<96xi32, #tpu.memory_space<hbm>>) target(%dma_start3A_64 : memref<96xi32, #tpu.memory_space<vmem>>) target_semaphore(%arg21 : memref<!tpu.dma_semaphore, #tpu.memory_space<semaphore_mem>>)
      %lt3A_66 = arith.constant 15 : i32
      %lt3A_67 = arith.cmpi slt, %arg1, %lt3A_66 : i32
      %convert_element_type3A_68 = arith.extui %lt3A_67 : i1 to i32
      %cond3A_69 = arith.constant 0 : i32
      %cond3A_70 = arith.cmpi ne, %convert_element_type3A_68, %cond3A_69 : i32
      scf.if %cond3A_70 {
        %mul3A_145 = arith.constant 632 : i32
        %mul3A_146 = arith.muli %arg1, %mul3A_145 : i32
        %mul3A_147 = arith.constant 632 : i32
        %mul3A_148 = arith.muli %arg1, %mul3A_147 : i32
        %dma_wait3A_149 = arith.constant 0 : i32
        %dma_wait3A_150 = tpu.memref_slice %arg15[%mul3A_148, %dma_wait3A_149] : memref<10000x128xf32, #tpu.memory_space<vmem_shared>> -> memref<632x128xf32, #tpu.memory_space<vmem_shared>>
        %dma_wait3A_151 = arith.constant 0 : i32
        %dma_wait3A_152 = tpu.memref_slice %arg2[%mul3A_146, %dma_wait3A_151] : memref<10000x128xf32, #tpu.memory_space<hbm>> -> memref<632x128xf32, #tpu.memory_space<hbm>>
        tpu.wait_dma2 semaphore(%arg23 : memref<!tpu.dma_semaphore, #tpu.memory_space<semaphore_mem>>) src(%dma_wait3A_152 : memref<632x128xf32, #tpu.memory_space<hbm>>) dst(%dma_wait3A_150 : memref<632x128xf32, #tpu.memory_space<vmem_shared>>)
      } else {
      }
      %eq3A_71 = arith.constant 15 : i32
      %eq3A_72 = arith.cmpi eq, %arg1, %eq3A_71 : i32
      %convert_element_type3A_73 = arith.extui %eq3A_72 : i1 to i32
      %cond3A_74 = arith.constant 0 : i32
      %cond3A_75 = arith.cmpi ne, %convert_element_type3A_73, %cond3A_74 : i32
      scf.if %cond3A_75 {
        %dma_wait3A_145 = arith.constant 9480 : i32
        %dma_wait3A_146 = arith.constant 0 : i32
        %dma_wait3A_147 = tpu.memref_slice %arg15[%dma_wait3A_145, %dma_wait3A_146] : memref<10000x128xf32, #tpu.memory_space<vmem_shared>> -> memref<520x128xf32, #tpu.memory_space<vmem_shared>>
        %dma_wait3A_148 = arith.constant 9480 : i32
        %dma_wait3A_149 = arith.constant 0 : i32
        %dma_wait3A_150 = tpu.memref_slice %arg2[%dma_wait3A_148, %dma_wait3A_149] : memref<10000x128xf32, #tpu.memory_space<hbm>> -> memref<520x128xf32, #tpu.memory_space<hbm>>
        tpu.wait_dma2 semaphore(%arg23 : memref<!tpu.dma_semaphore, #tpu.memory_space<semaphore_mem>>) src(%dma_wait3A_150 : memref<520x128xf32, #tpu.memory_space<hbm>>) dst(%dma_wait3A_147 : memref<520x128xf32, #tpu.memory_space<vmem_shared>>)
      } else {
      }
      %barrier3A = arith.constant 0 : index
      tpu.barrier barrier_id(%barrier3A)
      %scan3A = arith.constant 0 : i32
      %scan3A_76 = arith.constant 0 : i32
      %scan3A_77 = arith.constant 34 : i32
      %scan3A_78 = arith.addi %scan3A_76, %scan3A_77 : i32
      %scan3A_79 = arith.constant 1 : i32
      scf.for %scan3A_145 = %scan3A_76 to %scan3A_78 step %scan3A_79  : i32 {
        %mul3A_146 = arith.constant 3 : i32
        %mul3A_147 = arith.muli %mul3A_146, %scan3A_145 : i32
        %add3A_148 = arith.constant 0 : i32
        %add3A_149 = arith.addi %mul3A_147, %add3A_148 : i32
        %mul3A_150 = arith.constant 96 : i32
        %mul3A_151 = arith.muli %add3A_149, %mul3A_150 : i32
        %dma_wait3A_152 = tpu.memref_slice %arg9[%mul3A_151] : memref<10000xi32, #tpu.memory_space<vmem>> -> memref<96xi32, #tpu.memory_space<vmem>>
        %dma_wait3A_153 = arith.constant 0 : i32
        %dma_wait3A_154 = arith.constant 0 : i32
        %dma_wait3A_155 = tpu.memref_slice %arg3[%dma_wait3A_153, %dma_wait3A_154] : memref<10000x128xf32, #tpu.memory_space<hbm>> -> memref<10000x128xf32, #tpu.memory_space<hbm>>
        tpu.wait_indirect_dma semaphore(%arg16 : memref<!tpu.dma_semaphore, #tpu.memory_space<semaphore_mem>>) src(%dma_wait3A_155 : memref<10000x128xf32, #tpu.memory_space<hbm>>) dst(%arg12 : memref<96x128xf32, #tpu.memory_space<vmem>>)
        %mul3A_156 = arith.constant 96 : i32
        %mul3A_157 = arith.muli %add3A_149, %mul3A_156 : i32
        %add3A_158 = arith.addi %mul3A_7, %mul3A_157 : i32
        %dma_wait3A_159 = arith.constant 0 : i32
        %dma_wait3A_160 = arith.constant 0 : i32
        %dma_wait3A_161 = tpu.memref_slice %arg10[%dma_wait3A_159, %dma_wait3A_160] : memref<3x96xi32, #tpu.memory_space<vmem>> -> memref<1x96xi32, #tpu.memory_space<vmem>>
        %dma_wait3A_162 = tpu.memref_squeeze %dma_wait3A_161 : memref<1x96xi32, #tpu.memory_space<vmem>> -> memref<96xi32, #tpu.memory_space<vmem>>
        %dma_wait3A_163 = tpu.memref_slice %arg7[%add3A_158] : memref<160000xi32, #tpu.memory_space<hbm>> -> memref<96xi32, #tpu.memory_space<hbm>>
        %dma_wait3A_164 = arith.constant 0 : i32
        %dma_wait3A_165 = tpu.memref_slice %arg10[%dma_wait3A_159, %dma_wait3A_164] : memref<3x96xi32, #tpu.memory_space<vmem>> -> memref<1x96xi32, #tpu.memory_space<vmem>>
        %dma_wait3A_166 = tpu.memref_squeeze %dma_wait3A_165 : memref<1x96xi32, #tpu.memory_space<vmem>> -> memref<96xi32, #tpu.memory_space<vmem>>
        %dma_wait3A_167 = tpu.memref_slice %arg7[%add3A_158] : memref<160000xi32, #tpu.memory_space<hbm>> -> memref<96xi32, #tpu.memory_space<hbm>>
        tpu.wait_dma2 semaphore(%arg19 : memref<!tpu.dma_semaphore, #tpu.memory_space<semaphore_mem>>) src(%dma_wait3A_167 : memref<96xi32, #tpu.memory_space<hbm>>) dst(%dma_wait3A_166 : memref<96xi32, #tpu.memory_space<vmem>>)
        %run_scoped3A_168 = arith.constant 0 : i32
        "tpu.region"() ({
          %run_scoped3A_232 = tpu.sem_alloc : memref<!tpu.dma_semaphore, #tpu.memory_space<semaphore_mem>>
          %dma_start3A_233 = arith.constant 0 : i32
          %dma_start3A_234 = tpu.memref_slice %arg10[%run_scoped3A_168, %dma_start3A_233] : memref<3x96xi32, #tpu.memory_space<vmem>> -> memref<1x96xi32, #tpu.memory_space<vmem>>
          %dma_start3A_235 = tpu.memref_squeeze %dma_start3A_234 : memref<1x96xi32, #tpu.memory_space<vmem>> -> memref<96xi32, #tpu.memory_space<vmem>>
          %dma_start3A_236 = arith.constant 0 : i32
          %dma_start3A_237 = arith.constant 0 : i32
          %dma_start3A_238 = tpu.memref_slice %arg15[%dma_start3A_236, %dma_start3A_237] : memref<10000x128xf32, #tpu.memory_space<vmem_shared>> -> memref<10000x128xf32, #tpu.memory_space<vmem_shared>>
          tpu.enqueue_indirect_dma source(%arg12 : memref<96x128xf32, #tpu.memory_space<vmem>>) target(%dma_start3A_238 : memref<10000x128xf32, #tpu.memory_space<vmem_shared>>) offsets(%dma_start3A_235 : memref<96xi32, #tpu.memory_space<vmem>>) semaphore(%run_scoped3A_232 : memref<!tpu.dma_semaphore, #tpu.memory_space<semaphore_mem>>) {add = true}
          %dma_wait3A_239 = arith.constant 0 : i32
          %dma_wait3A_240 = tpu.memref_slice %arg10[%run_scoped3A_168, %dma_wait3A_239] : memref<3x96xi32, #tpu.memory_space<vmem>> -> memref<1x96xi32, #tpu.memory_space<vmem>>
          %dma_wait3A_241 = tpu.memref_squeeze %dma_wait3A_240 : memref<1x96xi32, #tpu.memory_space<vmem>> -> memref<96xi32, #tpu.memory_space<vmem>>
          %dma_wait3A_242 = arith.constant 0 : i32
          %dma_wait3A_243 = arith.constant 0 : i32
          %dma_wait3A_244 = tpu.memref_slice %arg15[%dma_wait3A_242, %dma_wait3A_243] : memref<10000x128xf32, #tpu.memory_space<vmem_shared>> -> memref<10000x128xf32, #tpu.memory_space<vmem_shared>>
          tpu.wait_indirect_dma semaphore(%run_scoped3A_232 : memref<!tpu.dma_semaphore, #tpu.memory_space<semaphore_mem>>) src(%arg12 : memref<96x128xf32, #tpu.memory_space<vmem>>) dst(%dma_wait3A_244 : memref<10000x128xf32, #tpu.memory_space<vmem_shared>>)
          tpu.yield
        }) : () -> ()
        %add3A_169 = arith.constant 3 : i32
        %add3A_170 = arith.addi %add3A_149, %add3A_169 : i32
        %lt3A_171 = arith.constant 104 : i32
        %lt3A_172 = arith.cmpi slt, %add3A_170, %lt3A_171 : i32
        %convert_element_type3A_173 = arith.extui %lt3A_172 : i1 to i32
        %cond3A_174 = arith.constant 0 : i32
        %cond3A_175 = arith.cmpi ne, %convert_element_type3A_173, %cond3A_174 : i32
        scf.if %cond3A_175 {
          %add3A_232 = arith.constant 3 : i32
          %add3A_233 = arith.addi %add3A_149, %add3A_232 : i32
          %mul3A_234 = arith.constant 96 : i32
          %mul3A_235 = arith.muli %add3A_233, %mul3A_234 : i32
          %dma_start3A_236 = tpu.memref_slice %arg9[%mul3A_235] : memref<10000xi32, #tpu.memory_space<vmem>> -> memref<96xi32, #tpu.memory_space<vmem>>
          %dma_start3A_237 = arith.constant 0 : i32
          %dma_start3A_238 = arith.constant 0 : i32
          %dma_start3A_239 = tpu.memref_slice %arg3[%dma_start3A_237, %dma_start3A_238] : memref<10000x128xf32, #tpu.memory_space<hbm>> -> memref<10000x128xf32, #tpu.memory_space<hbm>>
          tpu.enqueue_indirect_dma source(%dma_start3A_239 : memref<10000x128xf32, #tpu.memory_space<hbm>>) target(%arg12 : memref<96x128xf32, #tpu.memory_space<vmem>>) offsets(%dma_start3A_236 : memref<96xi32, #tpu.memory_space<vmem>>) semaphore(%arg16 : memref<!tpu.dma_semaphore, #tpu.memory_space<semaphore_mem>>)
          %add3A_240 = arith.constant 3 : i32
          %add3A_241 = arith.addi %add3A_149, %add3A_240 : i32
          %mul3A_242 = arith.constant 96 : i32
          %mul3A_243 = arith.muli %add3A_241, %mul3A_242 : i32
          %add3A_244 = arith.addi %mul3A_7, %mul3A_243 : i32
          %dma_start3A_245 = arith.constant 0 : i32
          %dma_start3A_246 = arith.constant 0 : i32
          %dma_start3A_247 = tpu.memref_slice %arg10[%dma_start3A_245, %dma_start3A_246] : memref<3x96xi32, #tpu.memory_space<vmem>> -> memref<1x96xi32, #tpu.memory_space<vmem>>
          %dma_start3A_248 = tpu.memref_squeeze %dma_start3A_247 : memref<1x96xi32, #tpu.memory_space<vmem>> -> memref<96xi32, #tpu.memory_space<vmem>>
          %dma_start3A_249 = tpu.memref_slice %arg7[%add3A_244] : memref<160000xi32, #tpu.memory_space<hbm>> -> memref<96xi32, #tpu.memory_space<hbm>>
          %dma_start3A_250 = arith.constant 0 : i32
          %dma_start3A_251 = tpu.memref_slice %arg10[%dma_start3A_245, %dma_start3A_250] : memref<3x96xi32, #tpu.memory_space<vmem>> -> memref<1x96xi32, #tpu.memory_space<vmem>>
          %dma_start3A_252 = tpu.memref_squeeze %dma_start3A_251 : memref<1x96xi32, #tpu.memory_space<vmem>> -> memref<96xi32, #tpu.memory_space<vmem>>
          %dma_start3A_253 = tpu.memref_slice %arg7[%add3A_244] : memref<160000xi32, #tpu.memory_space<hbm>> -> memref<96xi32, #tpu.memory_space<hbm>>
          tpu.enqueue_dma source(%dma_start3A_253 : memref<96xi32, #tpu.memory_space<hbm>>) target(%dma_start3A_252 : memref<96xi32, #tpu.memory_space<vmem>>) target_semaphore(%arg19 : memref<!tpu.dma_semaphore, #tpu.memory_space<semaphore_mem>>)
        } else {
        }
        %add3A_176 = arith.constant 1 : i32
        %add3A_177 = arith.addi %mul3A_147, %add3A_176 : i32
        %mul3A_178 = arith.constant 96 : i32
        %mul3A_179 = arith.muli %add3A_177, %mul3A_178 : i32
        %dma_wait3A_180 = tpu.memref_slice %arg9[%mul3A_179] : memref<10000xi32, #tpu.memory_space<vmem>> -> memref<96xi32, #tpu.memory_space<vmem>>
        %dma_wait3A_181 = arith.constant 0 : i32
        %dma_wait3A_182 = arith.constant 0 : i32
        %dma_wait3A_183 = tpu.memref_slice %arg3[%dma_wait3A_181, %dma_wait3A_182] : memref<10000x128xf32, #tpu.memory_space<hbm>> -> memref<10000x128xf32, #tpu.memory_space<hbm>>
        tpu.wait_indirect_dma semaphore(%arg17 : memref<!tpu.dma_semaphore, #tpu.memory_space<semaphore_mem>>) src(%dma_wait3A_183 : memref<10000x128xf32, #tpu.memory_space<hbm>>) dst(%arg13 : memref<96x128xf32, #tpu.memory_space<vmem>>)
        %mul3A_184 = arith.constant 96 : i32
        %mul3A_185 = arith.muli %add3A_177, %mul3A_184 : i32
        %add3A_186 = arith.addi %mul3A_7, %mul3A_185 : i32
        %dma_wait3A_187 = arith.constant 1 : i32
        %dma_wait3A_188 = arith.constant 0 : i32
        %dma_wait3A_189 = tpu.memref_slice %arg10[%dma_wait3A_187, %dma_wait3A_188] : memref<3x96xi32, #tpu.memory_space<vmem>> -> memref<1x96xi32, #tpu.memory_space<vmem>>
        %dma_wait3A_190 = tpu.memref_squeeze %dma_wait3A_189 : memref<1x96xi32, #tpu.memory_space<vmem>> -> memref<96xi32, #tpu.memory_space<vmem>>
        %dma_wait3A_191 = tpu.memref_slice %arg7[%add3A_186] : memref<160000xi32, #tpu.memory_space<hbm>> -> memref<96xi32, #tpu.memory_space<hbm>>
        %dma_wait3A_192 = arith.constant 0 : i32
        %dma_wait3A_193 = tpu.memref_slice %arg10[%dma_wait3A_187, %dma_wait3A_192] : memref<3x96xi32, #tpu.memory_space<vmem>> -> memref<1x96xi32, #tpu.memory_space<vmem>>
        %dma_wait3A_194 = tpu.memref_squeeze %dma_wait3A_193 : memref<1x96xi32, #tpu.memory_space<vmem>> -> memref<96xi32, #tpu.memory_space<vmem>>
        %dma_wait3A_195 = tpu.memref_slice %arg7[%add3A_186] : memref<160000xi32, #tpu.memory_space<hbm>> -> memref<96xi32, #tpu.memory_space<hbm>>
        tpu.wait_dma2 semaphore(%arg20 : memref<!tpu.dma_semaphore, #tpu.memory_space<semaphore_mem>>) src(%dma_wait3A_195 : memref<96xi32, #tpu.memory_space<hbm>>) dst(%dma_wait3A_194 : memref<96xi32, #tpu.memory_space<vmem>>)
        %run_scoped3A_196 = arith.constant 1 : i32
        "tpu.region"() ({
          %run_scoped3A_232 = tpu.sem_alloc : memref<!tpu.dma_semaphore, #tpu.memory_space<semaphore_mem>>
          %dma_start3A_233 = arith.constant 0 : i32
          %dma_start3A_234 = tpu.memref_slice %arg10[%run_scoped3A_196, %dma_start3A_233] : memref<3x96xi32, #tpu.memory_space<vmem>> -> memref<1x96xi32, #tpu.memory_space<vmem>>
          %dma_start3A_235 = tpu.memref_squeeze %dma_start3A_234 : memref<1x96xi32, #tpu.memory_space<vmem>> -> memref<96xi32, #tpu.memory_space<vmem>>
          %dma_start3A_236 = arith.constant 0 : i32
          %dma_start3A_237 = arith.constant 0 : i32
          %dma_start3A_238 = tpu.memref_slice %arg15[%dma_start3A_236, %dma_start3A_237] : memref<10000x128xf32, #tpu.memory_space<vmem_shared>> -> memref<10000x128xf32, #tpu.memory_space<vmem_shared>>
          tpu.enqueue_indirect_dma source(%arg13 : memref<96x128xf32, #tpu.memory_space<vmem>>) target(%dma_start3A_238 : memref<10000x128xf32, #tpu.memory_space<vmem_shared>>) offsets(%dma_start3A_235 : memref<96xi32, #tpu.memory_space<vmem>>) semaphore(%run_scoped3A_232 : memref<!tpu.dma_semaphore, #tpu.memory_space<semaphore_mem>>) {add = true}
          %dma_wait3A_239 = arith.constant 0 : i32
          %dma_wait3A_240 = tpu.memref_slice %arg10[%run_scoped3A_196, %dma_wait3A_239] : memref<3x96xi32, #tpu.memory_space<vmem>> -> memref<1x96xi32, #tpu.memory_space<vmem>>
          %dma_wait3A_241 = tpu.memref_squeeze %dma_wait3A_240 : memref<1x96xi32, #tpu.memory_space<vmem>> -> memref<96xi32, #tpu.memory_space<vmem>>
          %dma_wait3A_242 = arith.constant 0 : i32
          %dma_wait3A_243 = arith.constant 0 : i32
          %dma_wait3A_244 = tpu.memref_slice %arg15[%dma_wait3A_242, %dma_wait3A_243] : memref<10000x128xf32, #tpu.memory_space<vmem_shared>> -> memref<10000x128xf32, #tpu.memory_space<vmem_shared>>
          tpu.wait_indirect_dma semaphore(%run_scoped3A_232 : memref<!tpu.dma_semaphore, #tpu.memory_space<semaphore_mem>>) src(%arg13 : memref<96x128xf32, #tpu.memory_space<vmem>>) dst(%dma_wait3A_244 : memref<10000x128xf32, #tpu.memory_space<vmem_shared>>)
          tpu.yield
        }) : () -> ()
        %add3A_197 = arith.constant 3 : i32
        %add3A_198 = arith.addi %add3A_177, %add3A_197 : i32
        %lt3A_199 = arith.constant 104 : i32
        %lt3A_200 = arith.cmpi slt, %add3A_198, %lt3A_199 : i32
        %convert_element_type3A_201 = arith.extui %lt3A_200 : i1 to i32
        %cond3A_202 = arith.constant 0 : i32
        %cond3A_203 = arith.cmpi ne, %convert_element_type3A_201, %cond3A_202 : i32
        scf.if %cond3A_203 {
          %add3A_232 = arith.constant 3 : i32
          %add3A_233 = arith.addi %add3A_177, %add3A_232 : i32
          %mul3A_234 = arith.constant 96 : i32
          %mul3A_235 = arith.muli %add3A_233, %mul3A_234 : i32
          %dma_start3A_236 = tpu.memref_slice %arg9[%mul3A_235] : memref<10000xi32, #tpu.memory_space<vmem>> -> memref<96xi32, #tpu.memory_space<vmem>>
          %dma_start3A_237 = arith.constant 0 : i32
          %dma_start3A_238 = arith.constant 0 : i32
          %dma_start3A_239 = tpu.memref_slice %arg3[%dma_start3A_237, %dma_start3A_238] : memref<10000x128xf32, #tpu.memory_space<hbm>> -> memref<10000x128xf32, #tpu.memory_space<hbm>>
          tpu.enqueue_indirect_dma source(%dma_start3A_239 : memref<10000x128xf32, #tpu.memory_space<hbm>>) target(%arg13 : memref<96x128xf32, #tpu.memory_space<vmem>>) offsets(%dma_start3A_236 : memref<96xi32, #tpu.memory_space<vmem>>) semaphore(%arg17 : memref<!tpu.dma_semaphore, #tpu.memory_space<semaphore_mem>>)
          %add3A_240 = arith.constant 3 : i32
          %add3A_241 = arith.addi %add3A_177, %add3A_240 : i32
          %mul3A_242 = arith.constant 96 : i32
          %mul3A_243 = arith.muli %add3A_241, %mul3A_242 : i32
          %add3A_244 = arith.addi %mul3A_7, %mul3A_243 : i32
          %dma_start3A_245 = arith.constant 1 : i32
          %dma_start3A_246 = arith.constant 0 : i32
          %dma_start3A_247 = tpu.memref_slice %arg10[%dma_start3A_245, %dma_start3A_246] : memref<3x96xi32, #tpu.memory_space<vmem>> -> memref<1x96xi32, #tpu.memory_space<vmem>>
          %dma_start3A_248 = tpu.memref_squeeze %dma_start3A_247 : memref<1x96xi32, #tpu.memory_space<vmem>> -> memref<96xi32, #tpu.memory_space<vmem>>
          %dma_start3A_249 = tpu.memref_slice %arg7[%add3A_244] : memref<160000xi32, #tpu.memory_space<hbm>> -> memref<96xi32, #tpu.memory_space<hbm>>
          %dma_start3A_250 = arith.constant 0 : i32
          %dma_start3A_251 = tpu.memref_slice %arg10[%dma_start3A_245, %dma_start3A_250] : memref<3x96xi32, #tpu.memory_space<vmem>> -> memref<1x96xi32, #tpu.memory_space<vmem>>
          %dma_start3A_252 = tpu.memref_squeeze %dma_start3A_251 : memref<1x96xi32, #tpu.memory_space<vmem>> -> memref<96xi32, #tpu.memory_space<vmem>>
          %dma_start3A_253 = tpu.memref_slice %arg7[%add3A_244] : memref<160000xi32, #tpu.memory_space<hbm>> -> memref<96xi32, #tpu.memory_space<hbm>>
          tpu.enqueue_dma source(%dma_start3A_253 : memref<96xi32, #tpu.memory_space<hbm>>) target(%dma_start3A_252 : memref<96xi32, #tpu.memory_space<vmem>>) target_semaphore(%arg20 : memref<!tpu.dma_semaphore, #tpu.memory_space<semaphore_mem>>)
        } else {
        }
        %add3A_204 = arith.constant 2 : i32
        %add3A_205 = arith.addi %mul3A_147, %add3A_204 : i32
        %mul3A_206 = arith.constant 96 : i32
        %mul3A_207 = arith.muli %add3A_205, %mul3A_206 : i32
        %dma_wait3A_208 = tpu.memref_slice %arg9[%mul3A_207] : memref<10000xi32, #tpu.memory_space<vmem>> -> memref<96xi32, #tpu.memory_space<vmem>>
        %dma_wait3A_209 = arith.constant 0 : i32
        %dma_wait3A_210 = arith.constant 0 : i32
        %dma_wait3A_211 = tpu.memref_slice %arg3[%dma_wait3A_209, %dma_wait3A_210] : memref<10000x128xf32, #tpu.memory_space<hbm>> -> memref<10000x128xf32, #tpu.memory_space<hbm>>
        tpu.wait_indirect_dma semaphore(%arg18 : memref<!tpu.dma_semaphore, #tpu.memory_space<semaphore_mem>>) src(%dma_wait3A_211 : memref<10000x128xf32, #tpu.memory_space<hbm>>) dst(%arg14 : memref<96x128xf32, #tpu.memory_space<vmem>>)
        %mul3A_212 = arith.constant 96 : i32
        %mul3A_213 = arith.muli %add3A_205, %mul3A_212 : i32
        %add3A_214 = arith.addi %mul3A_7, %mul3A_213 : i32
        %dma_wait3A_215 = arith.constant 2 : i32
        %dma_wait3A_216 = arith.constant 0 : i32
        %dma_wait3A_217 = tpu.memref_slice %arg10[%dma_wait3A_215, %dma_wait3A_216] : memref<3x96xi32, #tpu.memory_space<vmem>> -> memref<1x96xi32, #tpu.memory_space<vmem>>
        %dma_wait3A_218 = tpu.memref_squeeze %dma_wait3A_217 : memref<1x96xi32, #tpu.memory_space<vmem>> -> memref<96xi32, #tpu.memory_space<vmem>>
        %dma_wait3A_219 = tpu.memref_slice %arg7[%add3A_214] : memref<160000xi32, #tpu.memory_space<hbm>> -> memref<96xi32, #tpu.memory_space<hbm>>
        %dma_wait3A_220 = arith.constant 0 : i32
        %dma_wait3A_221 = tpu.memref_slice %arg10[%dma_wait3A_215, %dma_wait3A_220] : memref<3x96xi32, #tpu.memory_space<vmem>> -> memref<1x96xi32, #tpu.memory_space<vmem>>
        %dma_wait3A_222 = tpu.memref_squeeze %dma_wait3A_221 : memref<1x96xi32, #tpu.memory_space<vmem>> -> memref<96xi32, #tpu.memory_space<vmem>>
        %dma_wait3A_223 = tpu.memref_slice %arg7[%add3A_214] : memref<160000xi32, #tpu.memory_space<hbm>> -> memref<96xi32, #tpu.memory_space<hbm>>
        tpu.wait_dma2 semaphore(%arg21 : memref<!tpu.dma_semaphore, #tpu.memory_space<semaphore_mem>>) src(%dma_wait3A_223 : memref<96xi32, #tpu.memory_space<hbm>>) dst(%dma_wait3A_222 : memref<96xi32, #tpu.memory_space<vmem>>)
        %run_scoped3A_224 = arith.constant 2 : i32
        "tpu.region"() ({
          %run_scoped3A_232 = tpu.sem_alloc : memref<!tpu.dma_semaphore, #tpu.memory_space<semaphore_mem>>
          %dma_start3A_233 = arith.constant 0 : i32
          %dma_start3A_234 = tpu.memref_slice %arg10[%run_scoped3A_224, %dma_start3A_233] : memref<3x96xi32, #tpu.memory_space<vmem>> -> memref<1x96xi32, #tpu.memory_space<vmem>>
          %dma_start3A_235 = tpu.memref_squeeze %dma_start3A_234 : memref<1x96xi32, #tpu.memory_space<vmem>> -> memref<96xi32, #tpu.memory_space<vmem>>
          %dma_start3A_236 = arith.constant 0 : i32
          %dma_start3A_237 = arith.constant 0 : i32
          %dma_start3A_238 = tpu.memref_slice %arg15[%dma_start3A_236, %dma_start3A_237] : memref<10000x128xf32, #tpu.memory_space<vmem_shared>> -> memref<10000x128xf32, #tpu.memory_space<vmem_shared>>
          tpu.enqueue_indirect_dma source(%arg14 : memref<96x128xf32, #tpu.memory_space<vmem>>) target(%dma_start3A_238 : memref<10000x128xf32, #tpu.memory_space<vmem_shared>>) offsets(%dma_start3A_235 : memref<96xi32, #tpu.memory_space<vmem>>) semaphore(%run_scoped3A_232 : memref<!tpu.dma_semaphore, #tpu.memory_space<semaphore_mem>>) {add = true}
          %dma_wait3A_239 = arith.constant 0 : i32
          %dma_wait3A_240 = tpu.memref_slice %arg10[%run_scoped3A_224, %dma_wait3A_239] : memref<3x96xi32, #tpu.memory_space<vmem>> -> memref<1x96xi32, #tpu.memory_space<vmem>>
          %dma_wait3A_241 = tpu.memref_squeeze %dma_wait3A_240 : memref<1x96xi32, #tpu.memory_space<vmem>> -> memref<96xi32, #tpu.memory_space<vmem>>
          %dma_wait3A_242 = arith.constant 0 : i32
          %dma_wait3A_243 = arith.constant 0 : i32
          %dma_wait3A_244 = tpu.memref_slice %arg15[%dma_wait3A_242, %dma_wait3A_243] : memref<10000x128xf32, #tpu.memory_space<vmem_shared>> -> memref<10000x128xf32, #tpu.memory_space<vmem_shared>>
          tpu.wait_indirect_dma semaphore(%run_scoped3A_232 : memref<!tpu.dma_semaphore, #tpu.memory_space<semaphore_mem>>) src(%arg14 : memref<96x128xf32, #tpu.memory_space<vmem>>) dst(%dma_wait3A_244 : memref<10000x128xf32, #tpu.memory_space<vmem_shared>>)
          tpu.yield
        }) : () -> ()
        %add3A_225 = arith.constant 3 : i32
        %add3A_226 = arith.addi %add3A_205, %add3A_225 : i32
        %lt3A_227 = arith.constant 104 : i32
        %lt3A_228 = arith.cmpi slt, %add3A_226, %lt3A_227 : i32
        %convert_element_type3A_229 = arith.extui %lt3A_228 : i1 to i32
        %cond3A_230 = arith.constant 0 : i32
        %cond3A_231 = arith.cmpi ne, %convert_element_type3A_229, %cond3A_230 : i32
        scf.if %cond3A_231 {
          %add3A_232 = arith.constant 3 : i32
          %add3A_233 = arith.addi %add3A_205, %add3A_232 : i32
          %mul3A_234 = arith.constant 96 : i32
          %mul3A_235 = arith.muli %add3A_233, %mul3A_234 : i32
          %dma_start3A_236 = tpu.memref_slice %arg9[%mul3A_235] : memref<10000xi32, #tpu.memory_space<vmem>> -> memref<96xi32, #tpu.memory_space<vmem>>
          %dma_start3A_237 = arith.constant 0 : i32
          %dma_start3A_238 = arith.constant 0 : i32
          %dma_start3A_239 = tpu.memref_slice %arg3[%dma_start3A_237, %dma_start3A_238] : memref<10000x128xf32, #tpu.memory_space<hbm>> -> memref<10000x128xf32, #tpu.memory_space<hbm>>
          tpu.enqueue_indirect_dma source(%dma_start3A_239 : memref<10000x128xf32, #tpu.memory_space<hbm>>) target(%arg14 : memref<96x128xf32, #tpu.memory_space<vmem>>) offsets(%dma_start3A_236 : memref<96xi32, #tpu.memory_space<vmem>>) semaphore(%arg18 : memref<!tpu.dma_semaphore, #tpu.memory_space<semaphore_mem>>)
          %add3A_240 = arith.constant 3 : i32
          %add3A_241 = arith.addi %add3A_205, %add3A_240 : i32
          %mul3A_242 = arith.constant 96 : i32
          %mul3A_243 = arith.muli %add3A_241, %mul3A_242 : i32
          %add3A_244 = arith.addi %mul3A_7, %mul3A_243 : i32
          %dma_start3A_245 = arith.constant 2 : i32
          %dma_start3A_246 = arith.constant 0 : i32
          %dma_start3A_247 = tpu.memref_slice %arg10[%dma_start3A_245, %dma_start3A_246] : memref<3x96xi32, #tpu.memory_space<vmem>> -> memref<1x96xi32, #tpu.memory_space<vmem>>
          %dma_start3A_248 = tpu.memref_squeeze %dma_start3A_247 : memref<1x96xi32, #tpu.memory_space<vmem>> -> memref<96xi32, #tpu.memory_space<vmem>>
          %dma_start3A_249 = tpu.memref_slice %arg7[%add3A_244] : memref<160000xi32, #tpu.memory_space<hbm>> -> memref<96xi32, #tpu.memory_space<hbm>>
          %dma_start3A_250 = arith.constant 0 : i32
          %dma_start3A_251 = tpu.memref_slice %arg10[%dma_start3A_245, %dma_start3A_250] : memref<3x96xi32, #tpu.memory_space<vmem>> -> memref<1x96xi32, #tpu.memory_space<vmem>>
          %dma_start3A_252 = tpu.memref_squeeze %dma_start3A_251 : memref<1x96xi32, #tpu.memory_space<vmem>> -> memref<96xi32, #tpu.memory_space<vmem>>
          %dma_start3A_253 = tpu.memref_slice %arg7[%add3A_244] : memref<160000xi32, #tpu.memory_space<hbm>> -> memref<96xi32, #tpu.memory_space<hbm>>
          tpu.enqueue_dma source(%dma_start3A_253 : memref<96xi32, #tpu.memory_space<hbm>>) target(%dma_start3A_252 : memref<96xi32, #tpu.memory_space<vmem>>) target_semaphore(%arg21 : memref<!tpu.dma_semaphore, #tpu.memory_space<semaphore_mem>>)
        } else {
        }
      }
      %scan3A_80 = arith.constant 34 : i32
      %dma_wait3A_81 = arith.constant 9792 : i32
      %dma_wait3A_82 = tpu.memref_slice %arg9[%dma_wait3A_81] : memref<10000xi32, #tpu.memory_space<vmem>> -> memref<96xi32, #tpu.memory_space<vmem>>
      %dma_wait3A_83 = arith.constant 0 : i32
      %dma_wait3A_84 = arith.constant 0 : i32
      %dma_wait3A_85 = tpu.memref_slice %arg3[%dma_wait3A_83, %dma_wait3A_84] : memref<10000x128xf32, #tpu.memory_space<hbm>> -> memref<10000x128xf32, #tpu.memory_space<hbm>>
      tpu.wait_indirect_dma semaphore(%arg16 : memref<!tpu.dma_semaphore, #tpu.memory_space<semaphore_mem>>) src(%dma_wait3A_85 : memref<10000x128xf32, #tpu.memory_space<hbm>>) dst(%arg12 : memref<96x128xf32, #tpu.memory_space<vmem>>)
      %add3A_86 = arith.constant 9792 : i32
      %add3A_87 = arith.addi %mul3A_7, %add3A_86 : i32
      %dma_wait3A_88 = arith.constant 0 : i32
      %dma_wait3A_89 = arith.constant 0 : i32
      %dma_wait3A_90 = tpu.memref_slice %arg10[%dma_wait3A_88, %dma_wait3A_89] : memref<3x96xi32, #tpu.memory_space<vmem>> -> memref<1x96xi32, #tpu.memory_space<vmem>>
      %dma_wait3A_91 = tpu.memref_squeeze %dma_wait3A_90 : memref<1x96xi32, #tpu.memory_space<vmem>> -> memref<96xi32, #tpu.memory_space<vmem>>
      %dma_wait3A_92 = tpu.memref_slice %arg7[%add3A_87] : memref<160000xi32, #tpu.memory_space<hbm>> -> memref<96xi32, #tpu.memory_space<hbm>>
      %dma_wait3A_93 = arith.constant 0 : i32
      %dma_wait3A_94 = tpu.memref_slice %arg10[%dma_wait3A_88, %dma_wait3A_93] : memref<3x96xi32, #tpu.memory_space<vmem>> -> memref<1x96xi32, #tpu.memory_space<vmem>>
      %dma_wait3A_95 = tpu.memref_squeeze %dma_wait3A_94 : memref<1x96xi32, #tpu.memory_space<vmem>> -> memref<96xi32, #tpu.memory_space<vmem>>
      %dma_wait3A_96 = tpu.memref_slice %arg7[%add3A_87] : memref<160000xi32, #tpu.memory_space<hbm>> -> memref<96xi32, #tpu.memory_space<hbm>>
      tpu.wait_dma2 semaphore(%arg19 : memref<!tpu.dma_semaphore, #tpu.memory_space<semaphore_mem>>) src(%dma_wait3A_96 : memref<96xi32, #tpu.memory_space<hbm>>) dst(%dma_wait3A_95 : memref<96xi32, #tpu.memory_space<vmem>>)
      %run_scoped3A = arith.constant 0 : i32
      "tpu.region"() ({
        %run_scoped3A_145 = tpu.sem_alloc : memref<!tpu.dma_semaphore, #tpu.memory_space<semaphore_mem>>
        %dma_start3A_146 = arith.constant 0 : i32
        %dma_start3A_147 = tpu.memref_slice %arg10[%run_scoped3A, %dma_start3A_146] : memref<3x96xi32, #tpu.memory_space<vmem>> -> memref<1x96xi32, #tpu.memory_space<vmem>>
        %dma_start3A_148 = tpu.memref_squeeze %dma_start3A_147 : memref<1x96xi32, #tpu.memory_space<vmem>> -> memref<96xi32, #tpu.memory_space<vmem>>
        %dma_start3A_149 = arith.constant 0 : i32
        %dma_start3A_150 = arith.constant 0 : i32
        %dma_start3A_151 = tpu.memref_slice %arg15[%dma_start3A_149, %dma_start3A_150] : memref<10000x128xf32, #tpu.memory_space<vmem_shared>> -> memref<10000x128xf32, #tpu.memory_space<vmem_shared>>
        tpu.enqueue_indirect_dma source(%arg12 : memref<96x128xf32, #tpu.memory_space<vmem>>) target(%dma_start3A_151 : memref<10000x128xf32, #tpu.memory_space<vmem_shared>>) offsets(%dma_start3A_148 : memref<96xi32, #tpu.memory_space<vmem>>) semaphore(%run_scoped3A_145 : memref<!tpu.dma_semaphore, #tpu.memory_space<semaphore_mem>>) {add = true}
        %dma_wait3A_152 = arith.constant 0 : i32
        %dma_wait3A_153 = tpu.memref_slice %arg10[%run_scoped3A, %dma_wait3A_152] : memref<3x96xi32, #tpu.memory_space<vmem>> -> memref<1x96xi32, #tpu.memory_space<vmem>>
        %dma_wait3A_154 = tpu.memref_squeeze %dma_wait3A_153 : memref<1x96xi32, #tpu.memory_space<vmem>> -> memref<96xi32, #tpu.memory_space<vmem>>
        %dma_wait3A_155 = arith.constant 0 : i32
        %dma_wait3A_156 = arith.constant 0 : i32
        %dma_wait3A_157 = tpu.memref_slice %arg15[%dma_wait3A_155, %dma_wait3A_156] : memref<10000x128xf32, #tpu.memory_space<vmem_shared>> -> memref<10000x128xf32, #tpu.memory_space<vmem_shared>>
        tpu.wait_indirect_dma semaphore(%run_scoped3A_145 : memref<!tpu.dma_semaphore, #tpu.memory_space<semaphore_mem>>) src(%arg12 : memref<96x128xf32, #tpu.memory_space<vmem>>) dst(%dma_wait3A_157 : memref<10000x128xf32, #tpu.memory_space<vmem_shared>>)
        tpu.yield
      }) : () -> ()
      %dma_wait3A_97 = arith.constant 9888 : i32
      %dma_wait3A_98 = tpu.memref_slice %arg9[%dma_wait3A_97] : memref<10000xi32, #tpu.memory_space<vmem>> -> memref<96xi32, #tpu.memory_space<vmem>>
      %dma_wait3A_99 = arith.constant 0 : i32
      %dma_wait3A_100 = arith.constant 0 : i32
      %dma_wait3A_101 = tpu.memref_slice %arg3[%dma_wait3A_99, %dma_wait3A_100] : memref<10000x128xf32, #tpu.memory_space<hbm>> -> memref<10000x128xf32, #tpu.memory_space<hbm>>
      tpu.wait_indirect_dma semaphore(%arg17 : memref<!tpu.dma_semaphore, #tpu.memory_space<semaphore_mem>>) src(%dma_wait3A_101 : memref<10000x128xf32, #tpu.memory_space<hbm>>) dst(%arg13 : memref<96x128xf32, #tpu.memory_space<vmem>>)
      %add3A_102 = arith.constant 9888 : i32
      %add3A_103 = arith.addi %mul3A_7, %add3A_102 : i32
      %dma_wait3A_104 = arith.constant 1 : i32
      %dma_wait3A_105 = arith.constant 0 : i32
      %dma_wait3A_106 = tpu.memref_slice %arg10[%dma_wait3A_104, %dma_wait3A_105] : memref<3x96xi32, #tpu.memory_space<vmem>> -> memref<1x96xi32, #tpu.memory_space<vmem>>
      %dma_wait3A_107 = tpu.memref_squeeze %dma_wait3A_106 : memref<1x96xi32, #tpu.memory_space<vmem>> -> memref<96xi32, #tpu.memory_space<vmem>>
      %dma_wait3A_108 = tpu.memref_slice %arg7[%add3A_103] : memref<160000xi32, #tpu.memory_space<hbm>> -> memref<96xi32, #tpu.memory_space<hbm>>
      %dma_wait3A_109 = arith.constant 0 : i32
      %dma_wait3A_110 = tpu.memref_slice %arg10[%dma_wait3A_104, %dma_wait3A_109] : memref<3x96xi32, #tpu.memory_space<vmem>> -> memref<1x96xi32, #tpu.memory_space<vmem>>
      %dma_wait3A_111 = tpu.memref_squeeze %dma_wait3A_110 : memref<1x96xi32, #tpu.memory_space<vmem>> -> memref<96xi32, #tpu.memory_space<vmem>>
      %dma_wait3A_112 = tpu.memref_slice %arg7[%add3A_103] : memref<160000xi32, #tpu.memory_space<hbm>> -> memref<96xi32, #tpu.memory_space<hbm>>
      tpu.wait_dma2 semaphore(%arg20 : memref<!tpu.dma_semaphore, #tpu.memory_space<semaphore_mem>>) src(%dma_wait3A_112 : memref<96xi32, #tpu.memory_space<hbm>>) dst(%dma_wait3A_111 : memref<96xi32, #tpu.memory_space<vmem>>)
      %run_scoped3A_113 = arith.constant 1 : i32
      "tpu.region"() ({
        %run_scoped3A_145 = tpu.sem_alloc : memref<!tpu.dma_semaphore, #tpu.memory_space<semaphore_mem>>
        %dma_start3A_146 = arith.constant 0 : i32
        %dma_start3A_147 = tpu.memref_slice %arg10[%run_scoped3A_113, %dma_start3A_146] : memref<3x96xi32, #tpu.memory_space<vmem>> -> memref<1x96xi32, #tpu.memory_space<vmem>>
        %dma_start3A_148 = tpu.memref_squeeze %dma_start3A_147 : memref<1x96xi32, #tpu.memory_space<vmem>> -> memref<96xi32, #tpu.memory_space<vmem>>
        %dma_start3A_149 = arith.constant 0 : i32
        %dma_start3A_150 = arith.constant 0 : i32
        %dma_start3A_151 = tpu.memref_slice %arg15[%dma_start3A_149, %dma_start3A_150] : memref<10000x128xf32, #tpu.memory_space<vmem_shared>> -> memref<10000x128xf32, #tpu.memory_space<vmem_shared>>
        tpu.enqueue_indirect_dma source(%arg13 : memref<96x128xf32, #tpu.memory_space<vmem>>) target(%dma_start3A_151 : memref<10000x128xf32, #tpu.memory_space<vmem_shared>>) offsets(%dma_start3A_148 : memref<96xi32, #tpu.memory_space<vmem>>) semaphore(%run_scoped3A_145 : memref<!tpu.dma_semaphore, #tpu.memory_space<semaphore_mem>>) {add = true}
        %dma_wait3A_152 = arith.constant 0 : i32
        %dma_wait3A_153 = tpu.memref_slice %arg10[%run_scoped3A_113, %dma_wait3A_152] : memref<3x96xi32, #tpu.memory_space<vmem>> -> memref<1x96xi32, #tpu.memory_space<vmem>>
        %dma_wait3A_154 = tpu.memref_squeeze %dma_wait3A_153 : memref<1x96xi32, #tpu.memory_space<vmem>> -> memref<96xi32, #tpu.memory_space<vmem>>
        %dma_wait3A_155 = arith.constant 0 : i32
        %dma_wait3A_156 = arith.constant 0 : i32
        %dma_wait3A_157 = tpu.memref_slice %arg15[%dma_wait3A_155, %dma_wait3A_156] : memref<10000x128xf32, #tpu.memory_space<vmem_shared>> -> memref<10000x128xf32, #tpu.memory_space<vmem_shared>>
        tpu.wait_indirect_dma semaphore(%run_scoped3A_145 : memref<!tpu.dma_semaphore, #tpu.memory_space<semaphore_mem>>) src(%arg13 : memref<96x128xf32, #tpu.memory_space<vmem>>) dst(%dma_wait3A_157 : memref<10000x128xf32, #tpu.memory_space<vmem_shared>>)
        tpu.yield
      }) : () -> ()
      %dma_start3A_114 = arith.constant 0 : i32
      %dma_start3A_115 = arith.constant 0 : i32
      %dma_start3A_116 = tpu.memref_slice %arg14[%dma_start3A_114, %dma_start3A_115] : memref<96x128xf32, #tpu.memory_space<vmem>> -> memref<16x128xf32, #tpu.memory_space<vmem>>
      %dma_start3A_117 = arith.constant 9984 : i32
      %dma_start3A_118 = tpu.memref_slice %arg9[%dma_start3A_117] : memref<10000xi32, #tpu.memory_space<vmem>> -> memref<16xi32, #tpu.memory_space<vmem>>
      %dma_start3A_119 = arith.constant 0 : i32
      %dma_start3A_120 = arith.constant 0 : i32
      %dma_start3A_121 = tpu.memref_slice %arg3[%dma_start3A_119, %dma_start3A_120] : memref<10000x128xf32, #tpu.memory_space<hbm>> -> memref<10000x128xf32, #tpu.memory_space<hbm>>
      tpu.enqueue_indirect_dma source(%dma_start3A_121 : memref<10000x128xf32, #tpu.memory_space<hbm>>) target(%dma_start3A_116 : memref<16x128xf32, #tpu.memory_space<vmem>>) offsets(%dma_start3A_118 : memref<16xi32, #tpu.memory_space<vmem>>) semaphore(%arg18 : memref<!tpu.dma_semaphore, #tpu.memory_space<semaphore_mem>>)
      %add3A_122 = arith.constant 9984 : i32
      %add3A_123 = arith.addi %mul3A_7, %add3A_122 : i32
      %run_scoped3A_124 = arith.constant 0 : i32
      "tpu.region"() ({
        %run_scoped3A_145 = tpu.sem_alloc : memref<!tpu.dma_semaphore, #tpu.memory_space<semaphore_mem>>
        %dma_start3A_146 = arith.constant 0 : i32
        %dma_start3A_147 = tpu.memref_slice %arg11[%run_scoped3A_124, %dma_start3A_146] : memref<1x16xi32, #tpu.memory_space<vmem>> -> memref<1x16xi32, #tpu.memory_space<vmem>>
        %dma_start3A_148 = tpu.memref_squeeze %dma_start3A_147 : memref<1x16xi32, #tpu.memory_space<vmem>> -> memref<16xi32, #tpu.memory_space<vmem>>
        %dma_start3A_149 = tpu.memref_slice %arg7[%add3A_123] : memref<160000xi32, #tpu.memory_space<hbm>> -> memref<16xi32, #tpu.memory_space<hbm>>
        %dma_start3A_150 = arith.constant 0 : i32
        %dma_start3A_151 = tpu.memref_slice %arg11[%run_scoped3A_124, %dma_start3A_150] : memref<1x16xi32, #tpu.memory_space<vmem>> -> memref<1x16xi32, #tpu.memory_space<vmem>>
        %dma_start3A_152 = tpu.memref_squeeze %dma_start3A_151 : memref<1x16xi32, #tpu.memory_space<vmem>> -> memref<16xi32, #tpu.memory_space<vmem>>
        %dma_start3A_153 = tpu.memref_slice %arg7[%add3A_123] : memref<160000xi32, #tpu.memory_space<hbm>> -> memref<16xi32, #tpu.memory_space<hbm>>
        tpu.enqueue_dma source(%dma_start3A_153 : memref<16xi32, #tpu.memory_space<hbm>>) target(%dma_start3A_152 : memref<16xi32, #tpu.memory_space<vmem>>) target_semaphore(%run_scoped3A_145 : memref<!tpu.dma_semaphore, #tpu.memory_space<semaphore_mem>>)
        %dma_wait3A_154 = arith.constant 0 : i32
        %dma_wait3A_155 = tpu.memref_slice %arg11[%run_scoped3A_124, %dma_wait3A_154] : memref<1x16xi32, #tpu.memory_space<vmem>> -> memref<1x16xi32, #tpu.memory_space<vmem>>
        %dma_wait3A_156 = tpu.memref_squeeze %dma_wait3A_155 : memref<1x16xi32, #tpu.memory_space<vmem>> -> memref<16xi32, #tpu.memory_space<vmem>>
        %dma_wait3A_157 = tpu.memref_slice %arg7[%add3A_123] : memref<160000xi32, #tpu.memory_space<hbm>> -> memref<16xi32, #tpu.memory_space<hbm>>
        %dma_wait3A_158 = arith.constant 0 : i32
        %dma_wait3A_159 = tpu.memref_slice %arg11[%run_scoped3A_124, %dma_wait3A_158] : memref<1x16xi32, #tpu.memory_space<vmem>> -> memref<1x16xi32, #tpu.memory_space<vmem>>
        %dma_wait3A_160 = tpu.memref_squeeze %dma_wait3A_159 : memref<1x16xi32, #tpu.memory_space<vmem>> -> memref<16xi32, #tpu.memory_space<vmem>>
        %dma_wait3A_161 = tpu.memref_slice %arg7[%add3A_123] : memref<160000xi32, #tpu.memory_space<hbm>> -> memref<16xi32, #tpu.memory_space<hbm>>
        tpu.wait_dma2 semaphore(%run_scoped3A_145 : memref<!tpu.dma_semaphore, #tpu.memory_space<semaphore_mem>>) src(%dma_wait3A_161 : memref<16xi32, #tpu.memory_space<hbm>>) dst(%dma_wait3A_160 : memref<16xi32, #tpu.memory_space<vmem>>)
        tpu.yield
      }) : () -> ()
      %dma_wait3A_125 = arith.constant 0 : i32
      %dma_wait3A_126 = arith.constant 0 : i32
      %dma_wait3A_127 = tpu.memref_slice %arg14[%dma_wait3A_125, %dma_wait3A_126] : memref<96x128xf32, #tpu.memory_space<vmem>> -> memref<16x128xf32, #tpu.memory_space<vmem>>
      %dma_wait3A_128 = arith.constant 9984 : i32
      %dma_wait3A_129 = tpu.memref_slice %arg9[%dma_wait3A_128] : memref<10000xi32, #tpu.memory_space<vmem>> -> memref<16xi32, #tpu.memory_space<vmem>>
      %dma_wait3A_130 = arith.constant 0 : i32
      %dma_wait3A_131 = arith.constant 0 : i32
      %dma_wait3A_132 = tpu.memref_slice %arg3[%dma_wait3A_130, %dma_wait3A_131] : memref<10000x128xf32, #tpu.memory_space<hbm>> -> memref<10000x128xf32, #tpu.memory_space<hbm>>
      tpu.wait_indirect_dma semaphore(%arg18 : memref<!tpu.dma_semaphore, #tpu.memory_space<semaphore_mem>>) src(%dma_wait3A_132 : memref<10000x128xf32, #tpu.memory_space<hbm>>) dst(%dma_wait3A_127 : memref<16x128xf32, #tpu.memory_space<vmem>>)
      %run_scoped3A_133 = arith.constant 0 : i32
      "tpu.region"() ({
        %run_scoped3A_145 = tpu.sem_alloc : memref<!tpu.dma_semaphore, #tpu.memory_space<semaphore_mem>>
        %dma_start3A_146 = arith.constant 0 : i32
        %dma_start3A_147 = arith.constant 0 : i32
        %dma_start3A_148 = tpu.memref_slice %arg14[%dma_start3A_146, %dma_start3A_147] : memref<96x128xf32, #tpu.memory_space<vmem>> -> memref<16x128xf32, #tpu.memory_space<vmem>>
        %dma_start3A_149 = arith.constant 0 : i32
        %dma_start3A_150 = tpu.memref_slice %arg11[%run_scoped3A_133, %dma_start3A_149] : memref<1x16xi32, #tpu.memory_space<vmem>> -> memref<1x16xi32, #tpu.memory_space<vmem>>
        %dma_start3A_151 = tpu.memref_squeeze %dma_start3A_150 : memref<1x16xi32, #tpu.memory_space<vmem>> -> memref<16xi32, #tpu.memory_space<vmem>>
        %dma_start3A_152 = arith.constant 0 : i32
        %dma_start3A_153 = arith.constant 0 : i32
        %dma_start3A_154 = tpu.memref_slice %arg15[%dma_start3A_152, %dma_start3A_153] : memref<10000x128xf32, #tpu.memory_space<vmem_shared>> -> memref<10000x128xf32, #tpu.memory_space<vmem_shared>>
        tpu.enqueue_indirect_dma source(%dma_start3A_148 : memref<16x128xf32, #tpu.memory_space<vmem>>) target(%dma_start3A_154 : memref<10000x128xf32, #tpu.memory_space<vmem_shared>>) offsets(%dma_start3A_151 : memref<16xi32, #tpu.memory_space<vmem>>) semaphore(%run_scoped3A_145 : memref<!tpu.dma_semaphore, #tpu.memory_space<semaphore_mem>>) {add = true}
        %dma_wait3A_155 = arith.constant 0 : i32
        %dma_wait3A_156 = arith.constant 0 : i32
        %dma_wait3A_157 = tpu.memref_slice %arg14[%dma_wait3A_155, %dma_wait3A_156] : memref<96x128xf32, #tpu.memory_space<vmem>> -> memref<16x128xf32, #tpu.memory_space<vmem>>
        %dma_wait3A_158 = arith.constant 0 : i32
        %dma_wait3A_159 = tpu.memref_slice %arg11[%run_scoped3A_133, %dma_wait3A_158] : memref<1x16xi32, #tpu.memory_space<vmem>> -> memref<1x16xi32, #tpu.memory_space<vmem>>
        %dma_wait3A_160 = tpu.memref_squeeze %dma_wait3A_159 : memref<1x16xi32, #tpu.memory_space<vmem>> -> memref<16xi32, #tpu.memory_space<vmem>>
        %dma_wait3A_161 = arith.constant 0 : i32
        %dma_wait3A_162 = arith.constant 0 : i32
        %dma_wait3A_163 = tpu.memref_slice %arg15[%dma_wait3A_161, %dma_wait3A_162] : memref<10000x128xf32, #tpu.memory_space<vmem_shared>> -> memref<10000x128xf32, #tpu.memory_space<vmem_shared>>
        tpu.wait_indirect_dma semaphore(%run_scoped3A_145 : memref<!tpu.dma_semaphore, #tpu.memory_space<semaphore_mem>>) src(%dma_wait3A_157 : memref<16x128xf32, #tpu.memory_space<vmem>>) dst(%dma_wait3A_163 : memref<10000x128xf32, #tpu.memory_space<vmem_shared>>)
        tpu.yield
      }) : () -> ()
      %barrier3A_134 = arith.constant 0 : index
      tpu.barrier barrier_id(%barrier3A_134)
      %lt3A_135 = arith.constant 15 : i32
      %lt3A_136 = arith.cmpi slt, %arg1, %lt3A_135 : i32
      %convert_element_type3A_137 = arith.extui %lt3A_136 : i1 to i32
      %cond3A_138 = arith.constant 0 : i32
      %cond3A_139 = arith.cmpi ne, %convert_element_type3A_137, %cond3A_138 : i32
      scf.if %cond3A_139 {
        %mul3A_145 = arith.constant 632 : i32
        %mul3A_146 = arith.muli %arg1, %mul3A_145 : i32
        %mul3A_147 = arith.constant 10000 : i32
        %mul3A_148 = arith.muli %arg0, %mul3A_147 : i32
        %mul3A_149 = arith.constant 632 : i32
        %mul3A_150 = arith.muli %arg1, %mul3A_149 : i32
        %add3A_151 = arith.addi %mul3A_148, %mul3A_150 : i32
        "tpu.region"() ({
          %run_scoped3A_152 = tpu.sem_alloc : memref<!tpu.dma_semaphore, #tpu.memory_space<semaphore_mem>>
          %dma_start3A_153 = arith.constant 0 : i32
          %dma_start3A_154 = tpu.memref_slice %arg8[%add3A_151, %dma_start3A_153] : memref<20000x128xf32, #tpu.memory_space<hbm>> -> memref<632x128xf32, #tpu.memory_space<hbm>>
          %dma_start3A_155 = arith.constant 0 : i32
          %dma_start3A_156 = tpu.memref_slice %arg15[%mul3A_146, %dma_start3A_155] : memref<10000x128xf32, #tpu.memory_space<vmem_shared>> -> memref<632x128xf32, #tpu.memory_space<vmem_shared>>
          tpu.enqueue_dma source(%dma_start3A_156 : memref<632x128xf32, #tpu.memory_space<vmem_shared>>) target(%dma_start3A_154 : memref<632x128xf32, #tpu.memory_space<hbm>>) target_semaphore(%run_scoped3A_152 : memref<!tpu.dma_semaphore, #tpu.memory_space<semaphore_mem>>)
          %dma_wait3A_157 = arith.constant 0 : i32
          %dma_wait3A_158 = tpu.memref_slice %arg8[%add3A_151, %dma_wait3A_157] : memref<20000x128xf32, #tpu.memory_space<hbm>> -> memref<632x128xf32, #tpu.memory_space<hbm>>
          %dma_wait3A_159 = arith.constant 0 : i32
          %dma_wait3A_160 = tpu.memref_slice %arg15[%mul3A_146, %dma_wait3A_159] : memref<10000x128xf32, #tpu.memory_space<vmem_shared>> -> memref<632x128xf32, #tpu.memory_space<vmem_shared>>
          tpu.wait_dma2 semaphore(%run_scoped3A_152 : memref<!tpu.dma_semaphore, #tpu.memory_space<semaphore_mem>>) src(%dma_wait3A_160 : memref<632x128xf32, #tpu.memory_space<vmem_shared>>) dst(%dma_wait3A_158 : memref<632x128xf32, #tpu.memory_space<hbm>>)
          tpu.yield
        }) : () -> ()
      } else {
      }
      %eq3A_140 = arith.constant 15 : i32
      %eq3A_141 = arith.cmpi eq, %arg1, %eq3A_140 : i32
      %convert_element_type3A_142 = arith.extui %eq3A_141 : i1 to i32
      %cond3A_143 = arith.constant 0 : i32
      %cond3A_144 = arith.cmpi ne, %convert_element_type3A_142, %cond3A_143 : i32
      scf.if %cond3A_144 {
        %mul3A_145 = arith.constant 10000 : i32
        %mul3A_146 = arith.muli %arg0, %mul3A_145 : i32
        %add3A_147 = arith.constant 9480 : i32
        %add3A_148 = arith.addi %mul3A_146, %add3A_147 : i32
        "tpu.region"() ({
          %run_scoped3A_149 = tpu.sem_alloc : memref<!tpu.dma_semaphore, #tpu.memory_space<semaphore_mem>>
          %dma_start3A_150 = arith.constant 0 : i32
          %dma_start3A_151 = tpu.memref_slice %arg8[%add3A_148, %dma_start3A_150] : memref<20000x128xf32, #tpu.memory_space<hbm>> -> memref<520x128xf32, #tpu.memory_space<hbm>>
          %dma_start3A_152 = arith.constant 9480 : i32
          %dma_start3A_153 = arith.constant 0 : i32
          %dma_start3A_154 = tpu.memref_slice %arg15[%dma_start3A_152, %dma_start3A_153] : memref<10000x128xf32, #tpu.memory_space<vmem_shared>> -> memref<520x128xf32, #tpu.memory_space<vmem_shared>>
          tpu.enqueue_dma source(%dma_start3A_154 : memref<520x128xf32, #tpu.memory_space<vmem_shared>>) target(%dma_start3A_151 : memref<520x128xf32, #tpu.memory_space<hbm>>) target_semaphore(%run_scoped3A_149 : memref<!tpu.dma_semaphore, #tpu.memory_space<semaphore_mem>>)
          %dma_wait3A_155 = arith.constant 0 : i32
          %dma_wait3A_156 = tpu.memref_slice %arg8[%add3A_148, %dma_wait3A_155] : memref<20000x128xf32, #tpu.memory_space<hbm>> -> memref<520x128xf32, #tpu.memory_space<hbm>>
          %dma_wait3A_157 = arith.constant 9480 : i32
          %dma_wait3A_158 = arith.constant 0 : i32
          %dma_wait3A_159 = tpu.memref_slice %arg15[%dma_wait3A_157, %dma_wait3A_158] : memref<10000x128xf32, #tpu.memory_space<vmem_shared>> -> memref<520x128xf32, #tpu.memory_space<vmem_shared>>
          tpu.wait_dma2 semaphore(%run_scoped3A_149 : memref<!tpu.dma_semaphore, #tpu.memory_space<semaphore_mem>>) src(%dma_wait3A_159 : memref<520x128xf32, #tpu.memory_space<vmem_shared>>) dst(%dma_wait3A_156 : memref<520x128xf32, #tpu.memory_space<hbm>>)
          tpu.yield
        }) : () -> ()
      } else {
      }
    } else {
    }
    return
  }
}

module attributes {stable_mosaic.version = 14 : i64} {
  func.func @_tc_mlp_body(%arg0: i32, %arg1: memref<400x128xf32, #tpu.memory_space<vmem>>, %arg2: memref<400x128xf32, #tpu.memory_space<vmem>>, %arg3: memref<400x128xf32, #tpu.memory_space<vmem>>, %arg4: memref<400x128xf32, #tpu.memory_space<vmem>>, %arg5: memref<2x128x128xf32, #tpu.memory_space<vmem>>, %arg6: memref<2x1x128xf32, #tpu.memory_space<vmem>>, %arg7: memref<2x128x128xf32, #tpu.memory_space<vmem>>, %arg8: memref<2x1x128xf32, #tpu.memory_space<vmem>>, %arg9: memref<2xf32, #tpu.memory_space<smem>>, %arg10: memref<400x128xf32, #tpu.memory_space<vmem>>, %arg11: memref<400x128xf32, #tpu.memory_space<vmem>>) attributes {dimension_semantics = [#tpu.dimension_semantics<arbitrary>], iteration_bounds = array<i64: 25>, scalar_prefetch = 0 : i64, scratch_operands = 0 : i64, tpu.core_type = #tpu.core_type<tc>, window_params = [{transform_indices = @transform_0, window_bounds = array<i64: 400, 128>}, {transform_indices = @transform_1, window_bounds = array<i64: 400, 128>}, {transform_indices = @transform_2, window_bounds = array<i64: 400, 128>}, {transform_indices = @transform_3, window_bounds = array<i64: 400, 128>}, {pipeline_mode = #tpu.pipeline_mode<synchronous>, transform_indices = @transform_4, window_bounds = array<i64: 2, 128, 128>}, {pipeline_mode = #tpu.pipeline_mode<synchronous>, transform_indices = @transform_5, window_bounds = array<i64: 2, 1, 128>}, {pipeline_mode = #tpu.pipeline_mode<synchronous>, transform_indices = @transform_6, window_bounds = array<i64: 2, 128, 128>}, {pipeline_mode = #tpu.pipeline_mode<synchronous>, transform_indices = @transform_7, window_bounds = array<i64: 2, 1, 128>}, {transform_indices = @transform_8, window_bounds = array<i64: 2>}, {transform_indices = @transform_9, window_bounds = array<i64: 400, 128>}, {transform_indices = @transform_10, window_bounds = array<i64: 400, 128>}]} {
    %get3A = arith.constant 0 : index
    %get3A_0 = arith.constant 0 : index
    %get3A_1 = vector.load %arg1[%get3A, %get3A_0] : memref<400x128xf32, #tpu.memory_space<vmem>>, vector<400x128xf32>
    %get3A_2 = arith.constant 0 : index
    %get3A_3 = memref.load %arg9[%get3A_2] : memref<2xf32, #tpu.memory_space<smem>>
    %get3A_4 = arith.constant 0 : index
    %get3A_5 = arith.constant 0 : index
    %get3A_6 = vector.load %arg3[%get3A_4, %get3A_5] : memref<400x128xf32, #tpu.memory_space<vmem>>, vector<400x128xf32>
    %mul3A = vector.broadcast %get3A_3 : f32 to vector<400x128xf32>
    %mul3A_7 = arith.mulf %mul3A, %get3A_6 : vector<400x128xf32>
    %add3A = arith.addf %get3A_1, %mul3A_7 : vector<400x128xf32>
    %get3A_8 = arith.constant 0 : index
    %get3A_9 = arith.constant 0 : index
    %get3A_10 = arith.constant 0 : index
    %get3A_11 = vector.load %arg5[%get3A_8, %get3A_9, %get3A_10] : memref<2x128x128xf32, #tpu.memory_space<vmem>>, vector<1x128x128xf32>
    %get3A_12 = vector.shape_cast %get3A_11 : vector<1x128x128xf32> to vector<128x128xf32>
    %dot_general3A = arith.constant dense<0.000000e+00> : vector<400x128xf32>
    %dot_general3A_13 = tpu.matmul %add3A, %get3A_12, %dot_general3A {dimension_numbers = #tpu.dot_dimension_numbers<[1], [0], [0], [1], [0, 0, 1, 1], [], []>, transpose_lhs_hint = false} : vector<400x128xf32>, vector<128x128xf32>, vector<400x128xf32> -> vector<400x128xf32>
    %get3A_14 = arith.constant 0 : index
    %get3A_15 = arith.constant 0 : index
    %get3A_16 = arith.constant 0 : index
    %get3A_17 = vector.load %arg6[%get3A_14, %get3A_15, %get3A_16] : memref<2x1x128xf32, #tpu.memory_space<vmem>>, vector<1x1x128xf32>
    %get3A_18 = vector.shape_cast %get3A_17 : vector<1x1x128xf32> to vector<1x128xf32>
    %add3A_19 = vector.broadcast %get3A_18 : vector<1x128xf32> to vector<400x128xf32>
    %add3A_20 = arith.addf %dot_general3A_13, %add3A_19 : vector<400x128xf32>
    %max3A = arith.constant 0.000000e+00 : f32
    %max3A_21 = vector.broadcast %max3A : f32 to vector<400x128xf32>
    %max3A_22 = arith.maximumf %add3A_20, %max3A_21 : vector<400x128xf32>
    %get3A_23 = arith.constant 0 : index
    %get3A_24 = arith.constant 0 : index
    %get3A_25 = arith.constant 0 : index
    %get3A_26 = vector.load %arg7[%get3A_23, %get3A_24, %get3A_25] : memref<2x128x128xf32, #tpu.memory_space<vmem>>, vector<1x128x128xf32>
    %get3A_27 = vector.shape_cast %get3A_26 : vector<1x128x128xf32> to vector<128x128xf32>
    %dot_general3A_28 = arith.constant dense<0.000000e+00> : vector<400x128xf32>
    %dot_general3A_29 = tpu.matmul %max3A_22, %get3A_27, %dot_general3A_28 {dimension_numbers = #tpu.dot_dimension_numbers<[1], [0], [0], [1], [0, 0, 1, 1], [], []>, transpose_lhs_hint = false} : vector<400x128xf32>, vector<128x128xf32>, vector<400x128xf32> -> vector<400x128xf32>
    %get3A_30 = arith.constant 0 : index
    %get3A_31 = arith.constant 0 : index
    %get3A_32 = arith.constant 0 : index
    %get3A_33 = vector.load %arg8[%get3A_30, %get3A_31, %get3A_32] : memref<2x1x128xf32, #tpu.memory_space<vmem>>, vector<1x1x128xf32>
    %get3A_34 = vector.shape_cast %get3A_33 : vector<1x1x128xf32> to vector<1x128xf32>
    %add3A_35 = vector.broadcast %get3A_34 : vector<1x128xf32> to vector<400x128xf32>
    %add3A_36 = arith.addf %dot_general3A_29, %add3A_35 : vector<400x128xf32>
    %max3A_37 = arith.constant 0.000000e+00 : f32
    %max3A_38 = vector.broadcast %max3A_37 : f32 to vector<400x128xf32>
    %max3A_39 = arith.maximumf %add3A_36, %max3A_38 : vector<400x128xf32>
    %swap3A = arith.constant 0 : index
    %swap3A_40 = arith.constant 0 : index
    %swap3A_41 = vector.load %arg10[%swap3A, %swap3A_40] : memref<400x128xf32, #tpu.memory_space<vmem>>, vector<400x128xf32>
    tpu.vector_store %arg10[%swap3A, %swap3A_40], %max3A_39 {strides = array<i32>} : memref<400x128xf32, #tpu.memory_space<vmem>>, vector<400x128xf32>,
    %get3A_42 = arith.constant 0 : index
    %get3A_43 = arith.constant 0 : index
    %get3A_44 = vector.load %arg2[%get3A_42, %get3A_43] : memref<400x128xf32, #tpu.memory_space<vmem>>, vector<400x128xf32>
    %get3A_45 = arith.constant 1 : index
    %get3A_46 = memref.load %arg9[%get3A_45] : memref<2xf32, #tpu.memory_space<smem>>
    %get3A_47 = arith.constant 0 : index
    %get3A_48 = arith.constant 0 : index
    %get3A_49 = vector.load %arg4[%get3A_47, %get3A_48] : memref<400x128xf32, #tpu.memory_space<vmem>>, vector<400x128xf32>
    %mul3A_50 = vector.broadcast %get3A_46 : f32 to vector<400x128xf32>
    %mul3A_51 = arith.mulf %mul3A_50, %get3A_49 : vector<400x128xf32>
    %add3A_52 = arith.addf %get3A_44, %mul3A_51 : vector<400x128xf32>
    %get3A_53 = arith.constant 1 : index
    %get3A_54 = arith.constant 0 : index
    %get3A_55 = arith.constant 0 : index
    %get3A_56 = vector.load %arg5[%get3A_53, %get3A_54, %get3A_55] : memref<2x128x128xf32, #tpu.memory_space<vmem>>, vector<1x128x128xf32>
    %get3A_57 = vector.shape_cast %get3A_56 : vector<1x128x128xf32> to vector<128x128xf32>
    %dot_general3A_58 = arith.constant dense<0.000000e+00> : vector<400x128xf32>
    %dot_general3A_59 = tpu.matmul %add3A_52, %get3A_57, %dot_general3A_58 {dimension_numbers = #tpu.dot_dimension_numbers<[1], [0], [0], [1], [0, 0, 1, 1], [], []>, transpose_lhs_hint = false} : vector<400x128xf32>, vector<128x128xf32>, vector<400x128xf32> -> vector<400x128xf32>
    %get3A_60 = arith.constant 1 : index
    %get3A_61 = arith.constant 0 : index
    %get3A_62 = arith.constant 0 : index
    %get3A_63 = vector.load %arg6[%get3A_60, %get3A_61, %get3A_62] : memref<2x1x128xf32, #tpu.memory_space<vmem>>, vector<1x1x128xf32>
    %get3A_64 = vector.shape_cast %get3A_63 : vector<1x1x128xf32> to vector<1x128xf32>
    %add3A_65 = vector.broadcast %get3A_64 : vector<1x128xf32> to vector<400x128xf32>
    %add3A_66 = arith.addf %dot_general3A_59, %add3A_65 : vector<400x128xf32>
    %max3A_67 = arith.constant 0.000000e+00 : f32
    %max3A_68 = vector.broadcast %max3A_67 : f32 to vector<400x128xf32>
    %max3A_69 = arith.maximumf %add3A_66, %max3A_68 : vector<400x128xf32>
    %get3A_70 = arith.constant 1 : index
    %get3A_71 = arith.constant 0 : index
    %get3A_72 = arith.constant 0 : index
    %get3A_73 = vector.load %arg7[%get3A_70, %get3A_71, %get3A_72] : memref<2x128x128xf32, #tpu.memory_space<vmem>>, vector<1x128x128xf32>
    %get3A_74 = vector.shape_cast %get3A_73 : vector<1x128x128xf32> to vector<128x128xf32>
    %dot_general3A_75 = arith.constant dense<0.000000e+00> : vector<400x128xf32>
    %dot_general3A_76 = tpu.matmul %max3A_69, %get3A_74, %dot_general3A_75 {dimension_numbers = #tpu.dot_dimension_numbers<[1], [0], [0], [1], [0, 0, 1, 1], [], []>, transpose_lhs_hint = false} : vector<400x128xf32>, vector<128x128xf32>, vector<400x128xf32> -> vector<400x128xf32>
    %get3A_77 = arith.constant 1 : index
    %get3A_78 = arith.constant 0 : index
    %get3A_79 = arith.constant 0 : index
    %get3A_80 = vector.load %arg8[%get3A_77, %get3A_78, %get3A_79] : memref<2x1x128xf32, #tpu.memory_space<vmem>>, vector<1x1x128xf32>
    %get3A_81 = vector.shape_cast %get3A_80 : vector<1x1x128xf32> to vector<1x128xf32>
    %add3A_82 = vector.broadcast %get3A_81 : vector<1x128xf32> to vector<400x128xf32>
    %add3A_83 = arith.addf %dot_general3A_76, %add3A_82 : vector<400x128xf32>
    %max3A_84 = arith.constant 0.000000e+00 : f32
    %max3A_85 = vector.broadcast %max3A_84 : f32 to vector<400x128xf32>
    %max3A_86 = arith.maximumf %add3A_83, %max3A_85 : vector<400x128xf32>
    %swap3A_87 = arith.constant 0 : index
    %swap3A_88 = arith.constant 0 : index
    %swap3A_89 = vector.load %arg11[%swap3A_87, %swap3A_88] : memref<400x128xf32, #tpu.memory_space<vmem>>, vector<400x128xf32>
    tpu.vector_store %arg11[%swap3A_87, %swap3A_88], %max3A_86 {strides = array<i32>} : memref<400x128xf32, #tpu.memory_space<vmem>>, vector<400x128xf32>,
    return
  }
  func.func @transform_0(%arg0: i32) -> (i32, i32) {
    %c0_i32 = arith.constant 0 : i32
    %c0_i32_0 = arith.constant 0 : i32
    return %arg0, %c0_i32 : i32, i32
  }
  func.func @transform_1(%arg0: i32) -> (i32, i32) {
    %add3A = arith.constant 25 : i32
    %add3A_0 = arith.addi %arg0, %add3A : i32
    %c0_i32 = arith.constant 0 : i32
    %c0_i32_1 = arith.constant 0 : i32
    return %add3A_0, %c0_i32 : i32, i32
  }
  func.func @transform_2(%arg0: i32) -> (i32, i32) {
    %c0_i32 = arith.constant 0 : i32
    %c0_i32_0 = arith.constant 0 : i32
    return %arg0, %c0_i32 : i32, i32
  }
  func.func @transform_3(%arg0: i32) -> (i32, i32) {
    %c0_i32 = arith.constant 0 : i32
    %c0_i32_0 = arith.constant 0 : i32
    return %arg0, %c0_i32 : i32, i32
  }
  func.func @transform_4(%arg0: i32) -> (i32, i32, i32) {
    %c0_i32 = arith.constant 0 : i32
    %c0_i32_0 = arith.constant 0 : i32
    %c0_i32_1 = arith.constant 0 : i32
    %c0_i32_2 = arith.constant 0 : i32
    return %c0_i32, %c0_i32_0, %c0_i32_1 : i32, i32, i32
  }
  func.func @transform_5(%arg0: i32) -> (i32, i32, i32) {
    %c0_i32 = arith.constant 0 : i32
    %c0_i32_0 = arith.constant 0 : i32
    %c0_i32_1 = arith.constant 0 : i32
    %c0_i32_2 = arith.constant 0 : i32
    return %c0_i32, %c0_i32_0, %c0_i32_1 : i32, i32, i32
  }
  func.func @transform_6(%arg0: i32) -> (i32, i32, i32) {
    %c0_i32 = arith.constant 0 : i32
    %c0_i32_0 = arith.constant 0 : i32
    %c0_i32_1 = arith.constant 0 : i32
    %c0_i32_2 = arith.constant 0 : i32
    return %c0_i32, %c0_i32_0, %c0_i32_1 : i32, i32, i32
  }
  func.func @transform_7(%arg0: i32) -> (i32, i32, i32) {
    %c0_i32 = arith.constant 0 : i32
    %c0_i32_0 = arith.constant 0 : i32
    %c0_i32_1 = arith.constant 0 : i32
    %c0_i32_2 = arith.constant 0 : i32
    return %c0_i32, %c0_i32_0, %c0_i32_1 : i32, i32, i32
  }
  func.func @transform_8(%arg0: i32) -> i32 {
    %c0_i32 = arith.constant 0 : i32
    %c0_i32_0 = arith.constant 0 : i32
    return %c0_i32 : i32
  }
  func.func @transform_9(%arg0: i32) -> (i32, i32) {
    %c0_i32 = arith.constant 0 : i32
    %c0_i32_0 = arith.constant 0 : i32
    return %arg0, %c0_i32 : i32, i32
  }
  func.func @transform_10(%arg0: i32) -> (i32, i32) {
    %c0_i32 = arith.constant 0 : i32
    %c0_i32_0 = arith.constant 0 : i32
    return %arg0, %c0_i32 : i32, i32
  }
}

</mosaic_0001>

<sc_bundles>
// kernel: kernel.4.cloned.1.call-start
scs
__scs_entry_jumppad:
0x0: {  	(pc) =	sbr.rel $0x88, $3  }
0x1: {  	(tag) =	ssettag $0x0;
	lr =	simm.s32 $0x1  }
0x2: {  	[smem:$0x3F83] =	sst lr;
	_ =	strace $0xD0000000  }
0x3: {  	_ = 	snop  }
0x4: {  	_ = 	snop  }
0x5: {  	_ = 	snop  }
0x6: {  	_ = 	snop  }
0x7: {  	_ = 	snop  }
__scs_overlays_trampoline_lowered:
0x8: {  	[smem:$0x3F92] =	sst s0  }
0x9: {  	[smem:$0x3F93] =	sst s1  }
0xa: {  	[smem:$0x3F94] =	sst s2  }
0xb: {  	[smem:$0x3F95] =	sst s3  }
0xc: {  	[smem:$0x3F96] =	sst s4  }
0xd: {  	[smem:$0x3F97] =	sst s5  }
0xe: {  	[smem:$0x3F98] =	sst s6  }
0xf: {  	[smem:$0x3F99] =	sst s7  }
0x10: {  	[smem:$0x3F9A] =	sst s8  }
0x11: {  	[smem:$0x3F9B] =	sst s9;
	s0 =	simm.s32 @!p0 $0x0  }
0x12: {  	s1 =	sld [smem:$0x3F81];
	s0 =	simm.s32 @p0 $0x1  }
0x13: {  	[smem:$0x3F9C] =	sst s0;
	s0 =	simm.s32 @!p1 $0x0  }
0x14: {  	s2 =	sld [smem:$0x3F80];
	s0 =	simm.s32 @p1 $0x1  }
0x15: {  	[smem:$0x3F9D] =	sst s0;
	s0 =	simm.s32 @!p2 $0x0  }
0x16: {  	s3 =	sld [smem:$0x3FDB];
	s0 =	simm.s32 @p2 $0x1  }
0x17: {  	s4 =	simm.s32 $0x1BF5;
	[smem:$0x3F9F] =	sst s0  }
0x18: {  	s0 =	sld [smem:$0x3F82];
	_ =	swait.ge [sflag:s4], $0x0  }
0x19: {  	s7 =	sld [smem:$0x3F83]  }
0x1a: {  	s8 =	sadd.s32 $0xFFFFE003, lr  }
0x1b: {  	s9 =	sadd.s32 $0xFFFFFEF7, lr;
	s5 =	simm.s32 $0xFFFFFFFF;
	p2 =	slt.u32 s8, $0xFFFFF086  }
0x1c: {  	p1 =	slt.u32 s9, $0xF7A;
	s5 =	simm.s32 @!p2 $0x0  }
0x1d: {  	s5 =	simm.s32 @p1 $0x1;
	p0 =	seq.s32 s7, s2  }
0x1e: {  	s7 =	smul.u32 @!p0 $0xF7A, s2;
	p2 =	seq.s32 @!p0 s5, $0x0  }
0x1f: {  	s9 =	smul.u32 $0xF7A, s1;
	s8 =	simm.s32 @!p0 $0x1BF5;
	p2 =	por !p2, p0  }
0x20: {  	[sflag:s8] =	ssyncset.s32 @!p0 $0xFFFFF086;
	s6 =	sadd.s32 @!p0 s3, s7;
	s7 =	simm.s32 @!p0 $0x108  }
0x21: {  	s3 =	sadd.s32 s3, s9;
	s6 =	sadd.s32 @!p0 $0x88, s6;
	s7 =	simm.s32 @p2 $0x1082  }
0x22: {  	[simem:s7], [sflag:s8] =	dma.local @!p0 [hbm:s6], $0xF7A  }
0x23: {  	s9 =	sor.u32 $0xD0000000, s2;
	s6 =	simm.s32 $0x108;
	_ =	swait.ge @!p0 [sflag:s8], $0x0  }
0x24: {  	s3 =	sadd.s32 $0x88, s3;
	s6 =	simm.s32 @!p1 $0x1082;
	[sflag:s4] =	ssyncset.s32 $0xFFFFF086  }
0x25: {  	[simem:s6], [sflag:s4] =	dma.local [hbm:s3], $0xF7A  }
0x26: {  	[smem:$0x3F83] =	sst s1;
	(tag) =	ssettag s2;
	_ =	strace s9  }
0x27: {  	s1 =	sld [smem:$0x3F93]  }
0x28: {  	s2 =	sld [smem:$0x3F94]  }
0x29: {  	s4 =	sld [smem:$0x3F96]  }
0x2a: {  	p0 =	seq.s32 s5, $0x0;
	s5 =	sld [smem:$0x3F97]  }
0x2b: {  	s6 =	sld [smem:$0x3F98]  }
0x2c: {  	s7 =	sld [smem:$0x3F99]  }
0x2d: {  	s3 =	simm.s32 $0x108;
	s8 =	sld [smem:$0x3F9A]  }
0x2e: {  	s3 =	simm.s32 @!p0 $0x1082;
	s9 =	sld [smem:$0x3F9B]  }
0x2f: {  	lr =	sadd.s32 s0, s3;
	s0 =	sld [smem:$0x3F92]  }
0x30: {  	s3 =	sld [smem:$0x3F95]  }
0x31: {  	[smem:$0x3F9E] =	sst s10  }
0x32: {  	s10 =	sld [smem:$0x3F9C];
	_ =	sdelay $0x3  }
0x33: {  	p0 =	seq.s32 s10, $0x1;
	s10 =	sld [smem:$0x3F9E];
	_ =	sdelay $0x3  }
0x34: {  	[smem:$0x3F9E] =	sst s10  }
0x35: {  	s10 =	sld [smem:$0x3F9D];
	_ =	sdelay $0x3  }
0x36: {  	p1 =	seq.s32 s10, $0x1;
	s10 =	sld [smem:$0x3F9E];
	_ =	sdelay $0x3  }
0x37: {  	[smem:$0x3F9E] =	sst s10  }
0x38: {  	s10 =	sld [smem:$0x3F9F]  }
0x39: {  	_ = 	snop;
	(pc) =	sbr.ind lr, $3  }
0x3a: {  	_ = 	snop  }
0x3b: {  	_ = 	snop  }
0x3c: {  	p2 =	seq.s32 s10, $0x1;
	s10 =	sld [smem:$0x3F9E]  }
0x3d: {  	_ =	shalt  }
0x3e: {  	_ =	shalt  }
0x3f: {  	_ =	shalt  }
0x40: {  	_ =	shalt  }
0x41: {  	_ =	shalt  }
0x42: {  	_ =	shalt  }
0x43: {  	_ =	shalt  }
0x44: {  	_ =	shalt  }
0x45: {  	_ =	shalt  }
0x46: {  	_ =	shalt  }
0x47: {  	_ =	shalt  }
0x48: {  	_ =	shalt  }
0x49: {  	_ =	shalt  }
0x4a: {  	_ =	shalt  }
0x4b: {  	_ =	shalt  }
0x4c: {  	_ =	shalt  }
0x4d: {  	_ =	shalt  }
0x4e: {  	_ =	shalt  }
0x4f: {  	_ =	shalt  }
0x50: {  	_ =	shalt  }
0x51: {  	_ =	shalt  }
0x52: {  	_ =	shalt  }
0x53: {  	_ =	shalt  }
0x54: {  	_ =	shalt  }
0x55: {  	_ =	shalt  }
0x56: {  	_ =	shalt  }
0x57: {  	_ =	shalt  }
0x58: {  	_ =	shalt  }
0x59: {  	_ =	shalt  }
0x5a: {  	_ =	shalt  }
0x5b: {  	_ =	shalt  }
0x5c: {  	_ =	shalt  }
0x5d: {  	_ =	shalt  }
0x5e: {  	_ =	shalt  }
0x5f: {  	_ =	shalt  }
0x60: {  	_ =	shalt  }
0x61: {  	_ =	shalt  }
0x62: {  	_ =	shalt  }
0x63: {  	_ =	shalt  }
0x64: {  	_ =	shalt  }
0x65: {  	_ =	shalt  }
0x66: {  	_ =	shalt  }
0x67: {  	_ =	shalt  }
0x68: {  	_ =	shalt  }
0x69: {  	_ =	shalt  }
0x6a: {  	_ =	shalt  }
0x6b: {  	_ =	shalt  }
0x6c: {  	_ =	shalt  }
0x6d: {  	_ =	shalt  }
0x6e: {  	_ =	shalt  }
0x6f: {  	_ =	shalt  }
0x70: {  	_ =	shalt  }
0x71: {  	_ =	shalt  }
0x72: {  	_ =	shalt  }
0x73: {  	_ =	shalt  }
0x74: {  	_ =	shalt  }
0x75: {  	_ =	shalt  }
0x76: {  	_ =	shalt  }
0x77: {  	_ =	shalt  }
0x78: {  	_ =	shalt  }
0x79: {  	_ =	shalt  }
0x7a: {  	_ =	shalt  }
0x7b: {  	_ =	shalt  }
0x7c: {  	_ =	shalt  }
0x7d: {  	_ =	shalt  }
0x7e: {  	_ =	shalt  }
0x7f: {  	_ =	shalt  }
0x80: {  	_ =	shalt  }
0x81: {  	_ =	shalt  }
0x82: {  	_ =	shalt  }
0x83: {  	_ =	shalt  }
0x84: {  	_ =	shalt  }
0x85: {  	_ =	shalt  }
0x86: {  	_ =	shalt  }
0x87: {  	_ =	shalt  }
.Lfunc_end0:
.L_simem_size_0:
called_computation_lowered:
.L_overlay_start_0:
0x88: {  	s2 =	sld [smem:$0x3FD9]  }
0x89: {  	s3 =	sld [smem:$0x3FFE];
	_ =	sdelay $0x1  }
0x8a: {  	s1 =	srdreg.scid  }
0x8b: {  	s0 =	sand.u32 $0x1, s1  }
0x8c: {  	s14 =	sshll.u32 s0, $0xA;
	s2 =	sadd.s32 s3, s2  }
0x8d: {  	s2 =	sadd.s32 s2, s14  }
0x8e: {  	[smem:$0x3FAA] =	sst s2  }
0x8f: {  	_ = 	snop  }
0x90: {  	s2 =	sld [smem:$0x3FD0];
	_ =	sdelay $0x1  }
0x91: {  	s15 =	sld [smem:$0x3FC9]  }
0x92: {  	s5 =	simm.s32 $0xA;
	s6 =	simm.s32 $0x10;
	s4 =	sld [smem:$0x3FC8]  }
0x93: {  	[smem:s6], [sflag:s5] =	dma.local [hbm:s2], $0x1  }
0x94: {  	_ =	swait.eq [sflag:s5], $0x1  }
0x95: {  	[sflag:s5] =	ssyncset.done $0x0  }
0x96: {  	s16 =	sld [smem:$0x10];
	[sflag:s5] =	ssyncadd.s32 $0xFFFFFFFF  }
0x97: {  	s17 =	sld [smem:$0x11];
	(tm) =	ssettm $0x1  }
0x98: {  	s18 =	sld [smem:$0x3FFB];
	_ =	sdelay $0x3  }
0x99: {  	_ =	strace s18  }
0x9a: {  	s6 =	sld [smem:$0x3FFC];
	_ =	sdelay $0x3  }
0x9b: {  	_ =	strace s6  }
0x9c: {  	s6 =	sld [smem:$0x3FFD];
	_ =	sdelay $0x3  }
0x9d: {  	_ =	strace s6  }
0x9e: {  	_ =	strace $0x8FFFFFFF  }
0x9f: {  	s19 =	sld [smem:$0x3FDB];
	_ =	sdelay $0x1  }
0xa0: {  	s7 =	simm.s32 $_scs_section_size  }
0xa1: {  	s8 =	simm.s32 $_size__tile_overlayer_lowered;
	s9 =	simm.s32 $_tile_overlayer_lowered  }
0xa2: {  	s22 =	simm.s32 $0x1BFF;
	s21 =	sshll.u32 s9, $0x1;
	s6 =	sadd.s32 s7, s19  }
0xa3: {  	s10 =	simm.s32 $0x0;
	s20 =	sshll.u32 s8, $0x1;
	s8 =	sadd.s32 s21, s6  }
0xa4: {  	[timem:s10], [sflag:s22] =	dma.local [hbm:s8], s20  }
0xa5: {  	_ =	swait.ge [sflag:s22], s20  }
0xa6: {  	s7 =	ssub.s32 $0x0, s20;
	[sflag:s22] =	ssyncset.done $0x0  }
0xa7: {  	[sflag:s22] =	ssyncadd.s32 s7;
	_ =	sdelay $0x1  }
0xa8: {  	s23 =	simm.s32 $0x1B8B  }
0xa9: {  	_ =	swait.ge [sflag:s23], $0x1  }
0xaa: {  	[sflag:s23] =	ssyncset.done $0x0  }
0xab: {  	s25 =	simm.s32 $0x1B8E;
	s24 =	sld [smem:$0x3FFE];
	[sflag:s23] =	ssyncadd.s32 $0xFFFFFFFF  }
0xac: {  	s26 =	simm.s32 $execute0_lowered;
	[smem:$0x3FD2] =	sst s25  }
0xad: {  	s8 =	sshll.u32 s26, $0x1;
	_ =	strace $0x80000046;
	[dreg:$0x1] =	wrdreg $0xFFFFFFFF  }
0xae: {  	s28 =	simm.s32 $_size_execute0_lowered;
	s6 =	sadd.s32 s6, s8;
	[dreg:$0x0] =	wrdreg $0x0  }
0xaf: {  	s8 =	sshll.u32 s28, $0x1;
	[dreg:$0x2] =	wrdreg s6  }
0xb0: {  	[dreg:$0x3] =	wrdreg s8  }
0xb1: {  	[dreg:$0x4] =	wrdreg $0xC0  }
0xb2: {  	_ =	task [dreg:s10], $0x5FFFF  }
0xb3: {  	[dreg:$0x1] =	wrdreg $0xFFFFFFFF  }
0xb4: {  	[dreg:$0x0] =	wrdreg $0x60  }
0xb5: {  	[dreg:$0x2] =	wrdreg s15  }
0xb6: {  	[dreg:$0x3] =	wrdreg s4  }
0xb7: {  	[dreg:$0x4] =	wrdreg s24  }
0xb8: {  	[dreg:$0x5] =	wrdreg s17  }
0xb9: {  	[dreg:$0x6] =	wrdreg s16  }
0xba: {  	[dreg:$0x7] =	wrdreg $0xBA000  }
0xbb: {  	[dreg:$0x8] =	wrdreg $0x9  }
0xbc: {  	_ =	task.clear_ibuf [dreg:s10], $0x9FFFF;
	_ =	strace $0x90000046  }
0xbd: {  	s29 =	simm.s32 $0x9;
	_ =	strace $0x80000048  }
0xbe: {  	_ =	swait.ge [sflag:s29], $0x1  }
0xbf: {  	[sflag:s29] =	ssyncadd.s32 $0xFFFFFFFF  }
0xc0: {  	_ =	strace $0x90000048  }
0xc1: {  	_ =	sfence  }
0xc2: {  	s30 =	sld [smem:$0x0];
	_ =	sdelay $0x2  }
0xc3: {  	s31 =	sshll.u32 s1, $0xD;
	s1 =	sshrl.u32 s1, $0x2  }
0xc4: {  	s3 =	sand.u32 $0x4000, s31;
	s1 =	sadd.s32 s1, s30  }
0xc5: {  	s0 =	sor.u32 s3, s0;
	s1 =	sshll.u32 s1, $0x11  }
0xc6: {  	s0 =	sor.u32 s1, s0  }
0xc7: {  	s0 =	sadd.s32 $0x8F2B, s0  }
0xc8: {  	[sflag:s0] =	ssyncadd.remote.s32 $0x1  }
0xc9: {  	_ =	sfence.sel $0xFFFF  }
0xca: {  	[dreg:$0x0] =	wrdreg $0xFFFFFFFF;
	(pc) =	sbr.abs _section_cstart, $3  }
0xcb: {  	[dreg:$0x1] =	wrdreg $0xFFFFFFFF  }
0xcc: {  	_ =	task.clear_ibuf [dreg:s10], $0x2FFFF;
	_ =	strace $0x9FFFFFFF  }
0xcd: {  	(tm) =	ssettm $0x7FFFFFFF  }
tec
execute0_lowered:
.L_overlay_start_1:
0x0: {  	(tag) =	ssettag $0x1  }
0x1: {  	s1 =	rddreg [dreg:$0x0]  }
0x2: {  	s2 =	rddreg [dreg:$0x1]  }
0x3: {  	s0 =	rddreg [dreg:$0x2]  }
0x4: {  	s3 =	rddreg [dreg:$0x3]  }
0x5: {  	s6 =	rddreg [dreg:$0x4];
	s15 =	stileid.u32  }
0x6: {  	s4 =	rddreg [dreg:$0x5];
	s5 =	simm.s32 $0x0;
	s8 =	smul.u32 $0x2710, s15  }
0x7: {  	s7 =	srdreg.scid;
	s28 =	simm.s32 $0x10;
	s12 =	smul.u32 $0x2780, s15  }
0x8: {  	[smem:$0x7FF] =	sst s5;
	s7 =	sand.u32 $0x1, s7;
	s17 =	smul.u32 $0x4F000, s15  }
0x9: {  	s10 =	sadd.s32 $0x9000, s0;
	s29 =	smul.u32 $0x4E2, s15;
	p1 =	seq.s32 s15, $0xF  }
0xa: {  	s15 =	simm.s32 $0x2880;
	_ =	strace $0x80000047;
	s9 =	ssub.s32 $0x2, s7  }
0xb: {  	p0 =	seq.s32 s7, $0x1;
	s7 =	simm.s32 $0x7;
	s8 =	sshrl.u32 s8, $0x3  }
0xc: {  	s11 =	sshrl.u32 s9, $0x1;
	s17 =	sshrl.u32 s17, $0x2;
	s18 =	sadd.s32 s10, s8  }
0xd: {  	s19 =	sadd.s32 $0xC, s8;
	s3 =	sadd.s32 s3, s8;
	[dreg:$0x7] =	wrdreg s18  }
0xe: {  	s20 =	sadd.s32 $0x18, s8;
	s13 =	sadd.s32 s10, s19;
	[dreg:$0xb] =	wrdreg s3  }
0xf: {  	s14 =	sadd.s32 $0x4E0, s8;
	s16 =	sadd.s32 s10, s20;
	[dreg:$0x8] =	wrdreg s13  }
0x10: {  	s9 =	ssub.s32 s9, s11;
	s21 =	sadd.s32 s10, s14;
	[dreg:$0x9] =	wrdreg s16  }
0x11: {  	s25 =	sadd.s32 $0x4C8, s8;
	s22 =	sadd.s32 s6, s19;
	[dreg:$0xa] =	wrdreg s21  }
0x12: {  	s26 =	sadd.s32 $0x4D4, s8;
	s23 =	sadd.s32 s6, s20;
	[dreg:$0xc] =	wrdreg s22  }
0x13: {  	s24 =	sadd.s32 s6, s14;
	s30 =	sadd.s32 s10, s25;
	[dreg:$0xd] =	wrdreg s23  }
0x14: {  	s31 =	sadd.s32 s10, s26;
	s3 =	sadd.s32 s6, s25;
	[dreg:$0xe] =	wrdreg s24  }
0x15: {  	s11 =	sadd.s32 s6, s26;
	s18 =	sadd.s32 s29, s10;
	[dreg:$0xf] =	wrdreg s30  }
0x16: {  	s19 =	sadd.s32 s29, s6;
	s14 =	sadd.s32 s6, s8;
	[dreg:$0x10] =	wrdreg s31  }
0x17: {  	s20 =	sadd.s32 s17, s4;
	s25 =	sadd.s32 $0x33080, s0;
	[dreg:$0x11] =	wrdreg s3  }
0x18: {  	s26 =	smax.u32 s9, $0x1;
	s29 =	sadd.s32 $0x128400, s4;
	[dreg:$0x12] =	wrdreg s11  }
0x19: {  	s9 =	simm.s32 $0x2A00;
	s10 =	simm.s32 $0x2780;
	[dreg:$0x13] =	wrdreg s14  }
0x1a: {  	s17 =	simm.s32 $0x4;
	s6 =	simm.s32 $0x0;
	[dreg:$0x15] =	wrdreg s20  }
0x1b: {  	s16 =	sadd.s32 s8, s0;
	s21 =	sadd.s32 s12, s0;
	[dreg:$0x1a] =	wrdreg s25  }
0x1c: {  	s22 =	sadd.s32 s2, s12;
	s23 =	sadd.s32 s1, s12;
	[dreg:$0x1c] =	wrdreg s26  }
0x1d: {  	s0 =	sadd.s32 $0x5A180, s0;
	[dreg:$0x1d] =	wrdreg s29;
	s30 =	sadd.s32 $0x25080, s2  }
0x1e: {  	s31 =	sadd.s32 $0x25080, s1;
	s8 =	simm.s32 $0x60;
	[dreg:$0x16] =	wrdreg s22  }
0x1f: {  	s11 =	simm.s32 $0x5A00;
	s12 =	simm.s32 $0x2800;
	[dreg:$0x17] =	wrdreg s23  }
0x20: {  	s14 =	simm.s32 $0x8A00;
	s20 =	simm.s32 $0x9;
	[dreg:$0x1b] =	wrdreg s0  }
.Ltmp0:
0x21: {  	s13 =	simm.s32 $0x6;
	[dreg:$0x1e] =	wrdreg s30;
	(pc) =	sbr.rel .LBB2_1-.Ltmp0, $4  }
0x22: {  	s3 =	sadd.s32 $0x4000, s16;
	s24 =	sadd.s32 $0xE000, s21;
	[dreg:$0x1f] =	wrdreg s31  }
0x23: {  	s16 =	simm.s32 $0x1;
	s23 =	simm.s32 $0x5;
	[dreg:$0x14] =	wrdreg s3  }
0x24: {  	s0 =	simm.s32 $0x2980;
	[dreg:$0x18] =	wrdreg s24;
	s3 =	sadd.s32 $0x35100, s21  }
0x25: {  	s21 =	simm.s32 $0x2;
	s24 =	simm.s32 $0x3;
	[dreg:$0x19] =	wrdreg s3  }
.LBB2_7:
0x26: {  	[tilespmem:s15], [sflag:$0x6] =	stream.linear.gather [hbm4b:s30+s5], $0x60, $0x38;
	[tilespmem:$0x1F280] =	vst v63  }
0x27: {  	_ =	swait.ge [sflag:s16], $0x3000  }
0x28: {  	[sflag:s16] =	ssyncset.done $0x0  }
0x29: {  	[sflag:s16] =	ssyncadd.s32 $0xFFFFD000  }
0x2a: {  	_ =	swait.ge [sflag:s17], $0x60  }
0x2b: {  	[sflag:s17] =	ssyncset.done $0x0  }
0x2c: {  	[sflag:s17] =	ssyncadd.s32 $0xFFFFFFA0  }
0x2d: {  	[spmem:s4] =	stream.indirect.scatter.add.f32 [tilespmem:s9], [sflag:$0x9], $0x80, s10, s8, $0xb8;
	[tilespmem:$0x1F280] =	vst v63  }
0x2e: {  	_ =	swait.ge [sflag:s20], $0x3000  }
0x2f: {  	[sflag:s20] =	ssyncset.done $0x0  }
0x30: {  	s3 =	simm.s32 $0x2640;
	[sflag:s20] =	ssyncadd.s32 $0xFFFFD000  }
0x31: {  	[tilespmem:s9], [sflag:$0x1] =	stream.indirect.gather [hbm4b:s2+s8], $0x80, s3, s8, $0xb8;
	[tilespmem:$0x1F280] =	vst v63  }
0x32: {  	s30 =	rddreg [dreg:$0x11]  }
0x33: {  	[tilespmem:s10], [sflag:$0x4] =	stream.linear.gather [hbm4b:s30+s5], $0x60, $0x38;
	[tilespmem:$0x1F280] =	vst v63  }
0x34: {  	_ =	swait.ge [sflag:s21], $0x3000  }
0x35: {  	[sflag:s21] =	ssyncset.done $0x0  }
0x36: {  	[sflag:s21] =	ssyncadd.s32 $0xFFFFD000  }
0x37: {  	_ =	swait.ge [sflag:s23], $0x60  }
0x38: {  	[sflag:s23] =	ssyncset.done $0x0  }
0x39: {  	[sflag:s23] =	ssyncadd.s32 $0xFFFFFFA0  }
0x3a: {  	[spmem:s4] =	stream.indirect.scatter.add.f32 [tilespmem:s11], [sflag:$0x9], $0x80, s12, s8, $0xb8;
	[tilespmem:$0x1F280] =	vst v63  }
0x3b: {  	_ =	swait.ge [sflag:s20], $0x3000  }
0x3c: {  	[sflag:s20] =	ssyncset.done $0x0  }
0x3d: {  	s31 =	simm.s32 $0x26A0;
	[sflag:s20] =	ssyncadd.s32 $0xFFFFD000  }
0x3e: {  	[tilespmem:s11], [sflag:$0x2] =	stream.indirect.gather [hbm4b:s2+s8], $0x80, s31, s8, $0xb8;
	[tilespmem:$0x1F280] =	vst v63  }
0x3f: {  	s22 =	rddreg [dreg:$0x12]  }
0x40: {  	[tilespmem:s12], [sflag:$0x5] =	stream.linear.gather [hbm4b:s22+s5], $0x60, $0x38;
	[tilespmem:$0x1F280] =	vst v63  }
0x41: {  	_ =	swait.ge [sflag:s24], $0x3000  }
0x42: {  	[sflag:s24] =	ssyncset.done $0x0  }
0x43: {  	[sflag:s24] =	ssyncadd.s32 $0xFFFFD000  }
0x44: {  	_ =	swait.ge [sflag:s13], $0x60  }
0x45: {  	[sflag:s13] =	ssyncset.done $0x0  }
0x46: {  	[sflag:s13] =	ssyncadd.s32 $0xFFFFFFA0  }
0x47: {  	[spmem:s4] =	stream.indirect.scatter.add.f32 [tilespmem:s14], [sflag:$0x9], $0x80, s15, s8, $0xb8;
	[tilespmem:$0x1F280] =	vst v63  }
0x48: {  	_ =	swait.ge [sflag:s20], $0x3000  }
0x49: {  	[sflag:s20] =	ssyncset.done $0x0  }
0x4a: {  	[sflag:s20] =	ssyncadd.s32 $0xFFFFD000  }
0x4b: {  	_ =	swait.ge [sflag:s16], $0x3000  }
0x4c: {  	[sflag:s16] =	ssyncset.done $0x0  }
0x4d: {  	[sflag:s16] =	ssyncadd.s32 $0xFFFFD000  }
0x4e: {  	_ =	swait.ge [sflag:s17], $0x60  }
0x4f: {  	[sflag:s17] =	ssyncset.done $0x0  }
0x50: {  	[sflag:s17] =	ssyncadd.s32 $0xFFFFFFA0  }
0x51: {  	[spmem:s4] =	stream.indirect.scatter.add.f32 [tilespmem:s9], [sflag:$0x9], $0x80, s10, s8, $0xb8;
	[tilespmem:$0x1F280] =	vst v63  }
0x52: {  	_ =	swait.ge [sflag:s20], $0x3000  }
0x53: {  	[sflag:s20] =	ssyncset.done $0x0  }
0x54: {  	[sflag:s20] =	ssyncadd.s32 $0xFFFFD000  }
0x55: {  	_ =	swait.ge [sflag:s21], $0x3000  }
0x56: {  	[sflag:s21] =	ssyncset.done $0x0  }
0x57: {  	[sflag:s21] =	ssyncadd.s32 $0xFFFFD000  }
0x58: {  	_ =	swait.ge [sflag:s23], $0x60  }
0x59: {  	[sflag:s23] =	ssyncset.done $0x0  }
0x5a: {  	[sflag:s23] =	ssyncadd.s32 $0xFFFFFFA0  }
0x5b: {  	[spmem:s4] =	stream.indirect.scatter.add.f32 [tilespmem:s11], [sflag:$0x9], $0x80, s12, s8, $0xb8;
	[tilespmem:$0x1F280] =	vst v63  }
0x5c: {  	_ =	swait.ge [sflag:s20], $0x3000  }
0x5d: {  	[sflag:s20] =	ssyncset.done $0x0  }
0x5e: {  	s30 =	simm.s32 $0x2700;
	[sflag:s20] =	ssyncadd.s32 $0xFFFFD000  }
0x5f: {  	[tilespmem:s14], [sflag:$0x3] =	stream.indirect.gather [hbm4b:s2+s28], $0x80, s30, s28, $0xb8;
	[tilespmem:$0x1F280] =	vst v63  }
0x60: {  	s31 =	rddreg [dreg:$0xe]  }
0x61: {  	[tilespmem:s0], [sflag:$0x9] =	stream.linear.gather [hbm4b:s31+s5], $0x10, $0x38;
	[tilespmem:$0x1F280] =	vst v63  }
0x62: {  	_ =	swait.ge [sflag:s20], $0x10  }
0x63: {  	[sflag:s20] =	ssyncset.done $0x0  }
0x64: {  	[sflag:s20] =	ssyncadd.s32 $0xFFFFFFF0  }
0x65: {  	_ =	swait.ge [sflag:s24], $0x800  }
0x66: {  	[sflag:s24] =	ssyncset.done $0x0  }
0x67: {  	[sflag:s24] =	ssyncadd.s32 $0xFFFFF800  }
0x68: {  	[spmem:s4] =	stream.indirect.scatter.add.f32 [tilespmem:s14], [sflag:$0x9], $0x80, s0, s28, $0xb8;
	[tilespmem:$0x1F280] =	vst v63  }
0x69: {  	_ =	swait.ge [sflag:s20], $0x800  }
0x6a: {  	[sflag:s20] =	ssyncset.done $0x0  }
0x6b: {  	[sflag:s20] =	ssyncadd.s32 $0xFFFFF800  }
0x6c: {  	[bflag:$0x0] =	sbarrier.arrive $0xFFFF  }
0x6d: {  	s3 =	simm.s32 @p1 $0x1FC9;
	s22 =	rddreg [dreg:$0x1b]  }
0x6e: {  	[hbm:s22], [sflag:s3] =	dma.local @p1 [spmem:s29], $0x2080  }
0x6f: {  	s3 =	simm.s32 @p1 $0x9  }
0x70: {  	_ =	swait.ge @p1 [sflag:s3], $0x2080  }
0x71: {  	[sflag:s3] =	ssyncset.done @p1 $0x0  }
0x72: {  	[sflag:s3] =	ssyncadd.s32 @p1 $0xFFFFDF80;
	s3 =	rddreg [dreg:$0x19]  }
0x73: {  	[hbm:s3], [sflag:s26] =	dma.local @!p1 [spmem:s25], $0x2780  }
0x74: {  	s3 =	simm.s32 @!p1 $0x9  }
0x75: {  	_ =	swait.ge @!p1 [sflag:s3], $0x2780  }
0x76: {  	[sflag:s3] =	ssyncset.done @!p1 $0x0  }
0x77: {  	[sflag:s3] =	ssyncadd.s32 @!p1 $0xFFFFD880  }
.LBB2_8:
0x78: {  	s6 =	sadd.s32 $0x1, s6;
	s3 =	rddreg [dreg:$0x1c]  }
0x79: {  	p2 =	sne.s32 s6, s3  }
.Ltmp1:
0x7a: {  	_ = 	snop;
	(pc) =	sbr.rel @!p2 .LBB2_9-.Ltmp1, $1  }
0x7b: {  	_ =	sdelay $0x3  }
.LBB2_1:
.Ltmp2:
0x7c: {  	(pc) =	sbr.rel @!p0 .LBB2_2-.Ltmp2, $4  }
0x7d: {  	s3 =	rddreg [dreg:$0x1d]  }
0x7e: {  	s29 =	sshrl.u32 @p1 s3, $0x3;
	s3 =	stileid.u32  }
0x7f: {  	s22 =	sshll.u32 @!p1 s3, $0x6;
	s3 =	rddreg [dreg:$0x15]  }
0x80: {  	s25 =	sshrl.u32 @!p1 s3, $0x3;
	s3 =	sor.u32 @!p1 $0x1C08, s22;
	s26 =	sor.u32 @!p1 $0x1C09, s22  }
0x81: {  	s22 =	rddreg [dreg:$0xb]  }
0x82: {  	[tilespmem:s5], [sflag:$0x7] =	stream.linear.gather [hbm4b:s22+s5], $0x2710, $0x38;
	[tilespmem:$0x1F280] =	vst v63  }
0x83: {  	s30 =	rddreg [dreg:$0x1f];
	s22 =	simm.s32 @p1 $0x1FC8  }
0x84: {  	[spmem:s29], [sflag:s22] =	dma.local @p1 [hbm:s30], $0x2080  }
0x85: {  	s22 =	rddreg [dreg:$0x17]  }
0x86: {  	[spmem:s25], [sflag:s3] =	dma.local @!p1 [hbm:s22], $0x2780  }
0x87: {  	_ =	swait.ge [sflag:s7], $0x2710  }
0x88: {  	[sflag:s7] =	ssyncset.done $0x0  }
0x89: {  	[sflag:s7] =	ssyncadd.s32 $0xFFFFD8F0  }
0x8a: {  	[tilespmem:s9], [sflag:$0x1] =	stream.indirect.gather [hbm4b:s2+s8], $0x80, s5, s8, $0xb8;
	[tilespmem:$0x1F280] =	vst v63  }
0x8b: {  	s31 =	rddreg [dreg:$0x13]  }
0x8c: {  	[tilespmem:s10], [sflag:$0x4] =	stream.linear.gather [hbm4b:s31+s5], $0x60, $0x38;
	[tilespmem:$0x1F280] =	vst v63  }
0x8d: {  	_ = 	snop  }
0x8e: {  	[tilespmem:s11], [sflag:$0x2] =	stream.indirect.gather [hbm4b:s2+s8], $0x80, s8, s8, $0xb8;
	[tilespmem:$0x1F280] =	vst v63  }
0x8f: {  	s22 =	rddreg [dreg:$0xc]  }
0x90: {  	[tilespmem:s12], [sflag:$0x5] =	stream.linear.gather [hbm4b:s22+s5], $0x60, $0x38;
	[tilespmem:$0x1F280] =	vst v63  }
0x91: {  	s31 =	simm.s32 $0xC0  }
0x92: {  	[tilespmem:s14], [sflag:$0x3] =	stream.indirect.gather [hbm4b:s2+s8], $0x80, s31, s8, $0xb8;
	[tilespmem:$0x1F280] =	vst v63  }
0x93: {  	s3 =	simm.s32 @p1 $0x8;
	s22 =	rddreg [dreg:$0xd]  }
0x94: {  	[tilespmem:s15], [sflag:$0x6] =	stream.linear.gather [hbm4b:s22+s5], $0x60, $0x38;
	[tilespmem:$0x1F280] =	vst v63  }
0x95: {  	_ =	swait.ge @p1 [sflag:s3], $0x2080  }
0x96: {  	[sflag:s3] =	ssyncset.done @p1 $0x0  }
0x97: {  	[sflag:s3] =	ssyncadd.s32 @p1 $0xFFFFDF80;
	s3 =	simm.s32 @!p1 $0x8  }
0x98: {  	_ =	swait.ge @!p1 [sflag:s3], $0x2780  }
0x99: {  	[sflag:s3] =	ssyncset.done @!p1 $0x0  }
0x9a: {  	[sflag:s3] =	ssyncadd.s32 @!p1 $0xFFFFD880  }
0x9b: {  	[bflag:$0x0] =	sbarrier.arrive $0xFFFF  }
0x9c: {  	_ =	swait.ge [sflag:s16], $0x3000  }
0x9d: {  	[sflag:s16] =	ssyncset.done $0x0  }
0x9e: {  	[sflag:s16] =	ssyncadd.s32 $0xFFFFD000  }
0x9f: {  	_ =	swait.ge [sflag:s17], $0x60  }
0xa0: {  	[sflag:s17] =	ssyncset.done $0x0  }
0xa1: {  	[sflag:s17] =	ssyncadd.s32 $0xFFFFFFA0  }
0xa2: {  	[spmem:s4] =	stream.indirect.scatter.add.f32 [tilespmem:s9], [sflag:$0x9], $0x80, s10, s8, $0xb8;
	[tilespmem:$0x1F280] =	vst v63  }
0xa3: {  	_ =	swait.ge [sflag:s20], $0x3000  }
0xa4: {  	[sflag:s20] =	ssyncset.done $0x0  }
0xa5: {  	s31 =	simm.s32 $0x120;
	s22 =	sadd.s32 $0x0, s19;
	[sflag:s20] =	ssyncadd.s32 $0xFFFFD000  }
0xa6: {  	[tilespmem:s9], [sflag:$0x1] =	stream.indirect.gather [hbm4b:s2+s8], $0x80, s31, s8, $0xb8;
	[tilespmem:$0x1F280] =	vst v63  }
0xa7: {  	s31 =	sadd.s32 $0x24, s22  }
0xa8: {  	[tilespmem:s10], [sflag:$0x4] =	stream.linear.gather [hbm4b:s31+s5], $0x60, $0x38;
	[tilespmem:$0x1F280] =	vst v63  }
0xa9: {  	_ =	swait.ge [sflag:s21], $0x3000  }
0xaa: {  	[sflag:s21] =	ssyncset.done $0x0  }
0xab: {  	[sflag:s21] =	ssyncadd.s32 $0xFFFFD000  }
0xac: {  	_ =	swait.ge [sflag:s23], $0x60  }
0xad: {  	[sflag:s23] =	ssyncset.done $0x0  }
0xae: {  	[sflag:s23] =	ssyncadd.s32 $0xFFFFFFA0  }
0xaf: {  	[spmem:s4] =	stream.indirect.scatter.add.f32 [tilespmem:s11], [sflag:$0x9], $0x80, s12, s8, $0xb8;
	[tilespmem:$0x1F280] =	vst v63  }
0xb0: {  	_ =	swait.ge [sflag:s20], $0x3000  }
0xb1: {  	[sflag:s20] =	ssyncset.done $0x0  }
0xb2: {  	s31 =	simm.s32 $0x180;
	[sflag:s20] =	ssyncadd.s32 $0xFFFFD000  }
0xb3: {  	[tilespmem:s11], [sflag:$0x2] =	stream.indirect.gather [hbm4b:s2+s8], $0x80, s31, s8, $0xb8;
	[tilespmem:$0x1F280] =	vst v63  }
0xb4: {  	s31 =	sadd.s32 $0x30, s22  }
0xb5: {  	[tilespmem:s12], [sflag:$0x5] =	stream.linear.gather [hbm4b:s31+s5], $0x60, $0x38;
	[tilespmem:$0x1F280] =	vst v63  }
0xb6: {  	_ =	swait.ge [sflag:s24], $0x3000  }
0xb7: {  	[sflag:s24] =	ssyncset.done $0x0  }
0xb8: {  	[sflag:s24] =	ssyncadd.s32 $0xFFFFD000  }
0xb9: {  	_ =	swait.ge [sflag:s13], $0x60  }
0xba: {  	[sflag:s13] =	ssyncset.done $0x0  }
0xbb: {  	[sflag:s13] =	ssyncadd.s32 $0xFFFFFFA0  }
0xbc: {  	[spmem:s4] =	stream.indirect.scatter.add.f32 [tilespmem:s14], [sflag:$0x9], $0x80, s15, s8, $0xb8;
	[tilespmem:$0x1F280] =	vst v63  }
0xbd: {  	_ =	swait.ge [sflag:s20], $0x3000  }
0xbe: {  	s30 =	sadd.s32 $0x3C, s22;
	s3 =	simm.s32 $0x24;
	[sflag:s20] =	ssyncset.done $0x0  }
0xbf: {  	s22 =	simm.s32 $0x300;
	s31 =	simm.s32 $0x1E0;
	[sflag:s20] =	ssyncadd.s32 $0xFFFFD000  }
0xc0: {  	[tilespmem:s14], [sflag:$0x3] =	stream.indirect.gather [hbm4b:s2+s8], $0x80, s31, s8, $0xb8;
	[tilespmem:$0x1F280] =	vst v63  }
.LBB2_6:
0xc1: {  	[tilespmem:s15], [sflag:$0x6] =	stream.linear.gather [hbm4b:s30+s5], $0x60, $0x38;
	[tilespmem:$0x1F280] =	vst v63  }
0xc2: {  	s30 =	smov.u32 s3  }
0xc3: {  	p2 =	sne.s32 s3, $0x480;
	s3 =	sadd.s32 $0x24, s3;
	_ =	swait.ge [sflag:s16], $0x3000  }
0xc4: {  	[sflag:s16] =	ssyncset.done $0x0  }
0xc5: {  	[sflag:s16] =	ssyncadd.s32 $0xFFFFD000  }
0xc6: {  	_ =	swait.ge [sflag:s17], $0x60  }
0xc7: {  	[sflag:s17] =	ssyncset.done $0x0  }
0xc8: {  	[sflag:s17] =	ssyncadd.s32 $0xFFFFFFA0  }
0xc9: {  	[spmem:s4] =	stream.indirect.scatter.add.f32 [tilespmem:s9], [sflag:$0x9], $0x80, s10, s8, $0xb8;
	[tilespmem:$0x1F280] =	vst v63  }
0xca: {  	_ =	swait.ge [sflag:s20], $0x3000  }
0xcb: {  	[sflag:s20] =	ssyncset.done $0x0  }
0xcc: {  	s31 =	sadd.s32 $0xFFFFFF40, s22;
	s30 =	sadd.s32 s30, s19;
	[sflag:s20] =	ssyncadd.s32 $0xFFFFD000  }
0xcd: {  	[tilespmem:s9], [sflag:$0x1] =	stream.indirect.gather [hbm4b:s2+s8], $0x80, s31, s8, $0xb8;
	[tilespmem:$0x1F280] =	vst v63  }
0xce: {  	s31 =	sadd.s32 $0x24, s30  }
0xcf: {  	[tilespmem:s10], [sflag:$0x4] =	stream.linear.gather [hbm4b:s31+s5], $0x60, $0x38;
	[tilespmem:$0x1F280] =	vst v63  }
0xd0: {  	_ =	swait.ge [sflag:s21], $0x3000  }
0xd1: {  	[sflag:s21] =	ssyncset.done $0x0  }
0xd2: {  	[sflag:s21] =	ssyncadd.s32 $0xFFFFD000  }
0xd3: {  	_ =	swait.ge [sflag:s23], $0x60  }
0xd4: {  	[sflag:s23] =	ssyncset.done $0x0  }
0xd5: {  	[sflag:s23] =	ssyncadd.s32 $0xFFFFFFA0  }
0xd6: {  	[spmem:s4] =	stream.indirect.scatter.add.f32 [tilespmem:s11], [sflag:$0x9], $0x80, s12, s8, $0xb8;
	[tilespmem:$0x1F280] =	vst v63  }
0xd7: {  	_ =	swait.ge [sflag:s20], $0x3000  }
0xd8: {  	[sflag:s20] =	ssyncset.done $0x0  }
0xd9: {  	s31 =	sadd.s32 $0xFFFFFFA0, s22;
	[sflag:s20] =	ssyncadd.s32 $0xFFFFD000  }
0xda: {  	[tilespmem:s11], [sflag:$0x2] =	stream.indirect.gather [hbm4b:s2+s8], $0x80, s31, s8, $0xb8;
	[tilespmem:$0x1F280] =	vst v63  }
0xdb: {  	s31 =	sadd.s32 $0x30, s30  }
0xdc: {  	[tilespmem:s12], [sflag:$0x5] =	stream.linear.gather [hbm4b:s31+s5], $0x60, $0x38;
	[tilespmem:$0x1F280] =	vst v63  }
0xdd: {  	_ =	swait.ge [sflag:s24], $0x3000  }
0xde: {  	[sflag:s24] =	ssyncset.done $0x0  }
0xdf: {  	[sflag:s24] =	ssyncadd.s32 $0xFFFFD000  }
0xe0: {  	_ =	swait.ge [sflag:s13], $0x60  }
0xe1: {  	[sflag:s13] =	ssyncset.done $0x0  }
0xe2: {  	[sflag:s13] =	ssyncadd.s32 $0xFFFFFFA0  }
0xe3: {  	[spmem:s4] =	stream.indirect.scatter.add.f32 [tilespmem:s14], [sflag:$0x9], $0x80, s15, s8, $0xb8;
	[tilespmem:$0x1F280] =	vst v63  }
.Ltmp3:
0xe4: {  	_ =	swait.ge [sflag:s20], $0x3000;
	(pc) =	sbr.rel @p2 .LBB2_6-.Ltmp3, $4  }
0xe5: {  	[sflag:s20] =	ssyncset.done $0x0  }
0xe6: {  	[sflag:s20] =	ssyncadd.s32 $0xFFFFD000  }
0xe7: {  	[tilespmem:s14], [sflag:$0x3] =	stream.indirect.gather [hbm4b:s2+s8], $0x80, s22, s8, $0xb8;
	[tilespmem:$0x1F280] =	vst v63  }
0xe8: {  	s30 =	sadd.s32 $0x3C, s30;
	s22 =	sadd.s32 $0x120, s22  }
.Ltmp4:
0xe9: {  	_ = 	snop;
	(pc) =	sbr.rel .LBB2_7-.Ltmp4, $1  }
0xea: {  	_ =	sdelay $0x3  }
.LBB2_2:
0xeb: {  	s22 =	rddreg [dreg:$0x14]  }
0xec: {  	[tilespmem:s5], [sflag:$0x7] =	stream.linear.gather [hbm4b:s22+s5], $0x2710, $0x38;
	[tilespmem:$0x1F280] =	vst v63  }
0xed: {  	s30 =	rddreg [dreg:$0x1e];
	s22 =	simm.s32 @p1 $0x1FC8  }
0xee: {  	[spmem:s29], [sflag:s22] =	dma.local @p1 [hbm:s30], $0x2080  }
0xef: {  	s22 =	rddreg [dreg:$0x16]  }
0xf0: {  	[spmem:s25], [sflag:s3] =	dma.local @!p1 [hbm:s22], $0x2780  }
0xf1: {  	_ =	swait.ge [sflag:s7], $0x2710  }
0xf2: {  	[sflag:s7] =	ssyncset.done $0x0  }
0xf3: {  	[sflag:s7] =	ssyncadd.s32 $0xFFFFD8F0  }
0xf4: {  	[tilespmem:s9], [sflag:$0x1] =	stream.indirect.gather [hbm4b:s1+s8], $0x80, s5, s8, $0xb8;
	[tilespmem:$0x1F280] =	vst v63  }
0xf5: {  	s31 =	rddreg [dreg:$0x7]  }
0xf6: {  	[tilespmem:s10], [sflag:$0x4] =	stream.linear.gather [hbm4b:s31+s5], $0x60, $0x38;
	[tilespmem:$0x1F280] =	vst v63  }
0xf7: {  	_ = 	snop  }
0xf8: {  	[tilespmem:s11], [sflag:$0x2] =	stream.indirect.gather [hbm4b:s1+s8], $0x80, s8, s8, $0xb8;
	[tilespmem:$0x1F280] =	vst v63  }
0xf9: {  	s22 =	rddreg [dreg:$0x8]  }
0xfa: {  	[tilespmem:s12], [sflag:$0x5] =	stream.linear.gather [hbm4b:s22+s5], $0x60, $0x38;
	[tilespmem:$0x1F280] =	vst v63  }
0xfb: {  	s31 =	simm.s32 $0xC0  }
0xfc: {  	[tilespmem:s14], [sflag:$0x3] =	stream.indirect.gather [hbm4b:s1+s8], $0x80, s31, s8, $0xb8;
	[tilespmem:$0x1F280] =	vst v63  }
0xfd: {  	s3 =	simm.s32 @p1 $0x8;
	s22 =	rddreg [dreg:$0x9]  }
0xfe: {  	[tilespmem:s15], [sflag:$0x6] =	stream.linear.gather [hbm4b:s22+s5], $0x60, $0x38;
	[tilespmem:$0x1F280] =	vst v63  }
0xff: {  	_ =	swait.ge @p1 [sflag:s3], $0x2080  }
0x100: {  	[sflag:s3] =	ssyncset.done @p1 $0x0  }
0x101: {  	[sflag:s3] =	ssyncadd.s32 @p1 $0xFFFFDF80;
	s3 =	simm.s32 @!p1 $0x8  }
0x102: {  	_ =	swait.ge @!p1 [sflag:s3], $0x2780  }
0x103: {  	[sflag:s3] =	ssyncset.done @!p1 $0x0  }
0x104: {  	[sflag:s3] =	ssyncadd.s32 @!p1 $0xFFFFD880  }
0x105: {  	[bflag:$0x0] =	sbarrier.arrive $0xFFFF  }
0x106: {  	_ =	swait.ge [sflag:s16], $0x3000  }
0x107: {  	[sflag:s16] =	ssyncset.done $0x0  }
0x108: {  	[sflag:s16] =	ssyncadd.s32 $0xFFFFD000  }
0x109: {  	_ =	swait.ge [sflag:s17], $0x60  }
0x10a: {  	[sflag:s17] =	ssyncset.done $0x0  }
0x10b: {  	[sflag:s17] =	ssyncadd.s32 $0xFFFFFFA0  }
0x10c: {  	[spmem:s4] =	stream.indirect.scatter.add.f32 [tilespmem:s9], [sflag:$0x9], $0x80, s10, s8, $0xb8;
	[tilespmem:$0x1F280] =	vst v63  }
0x10d: {  	_ =	swait.ge [sflag:s20], $0x3000  }
0x10e: {  	[sflag:s20] =	ssyncset.done $0x0  }
0x10f: {  	s31 =	simm.s32 $0x120;
	s22 =	sadd.s32 $0x0, s18;
	[sflag:s20] =	ssyncadd.s32 $0xFFFFD000  }
0x110: {  	[tilespmem:s9], [sflag:$0x1] =	stream.indirect.gather [hbm4b:s1+s8], $0x80, s31, s8, $0xb8;
	[tilespmem:$0x1F280] =	vst v63  }
0x111: {  	s31 =	sadd.s32 $0x24, s22  }
0x112: {  	[tilespmem:s10], [sflag:$0x4] =	stream.linear.gather [hbm4b:s31+s5], $0x60, $0x38;
	[tilespmem:$0x1F280] =	vst v63  }
0x113: {  	_ =	swait.ge [sflag:s21], $0x3000  }
0x114: {  	[sflag:s21] =	ssyncset.done $0x0  }
0x115: {  	[sflag:s21] =	ssyncadd.s32 $0xFFFFD000  }
0x116: {  	_ =	swait.ge [sflag:s23], $0x60  }
0x117: {  	[sflag:s23] =	ssyncset.done $0x0  }
0x118: {  	[sflag:s23] =	ssyncadd.s32 $0xFFFFFFA0  }
0x119: {  	[spmem:s4] =	stream.indirect.scatter.add.f32 [tilespmem:s11], [sflag:$0x9], $0x80, s12, s8, $0xb8;
	[tilespmem:$0x1F280] =	vst v63  }
0x11a: {  	_ =	swait.ge [sflag:s20], $0x3000  }
0x11b: {  	[sflag:s20] =	ssyncset.done $0x0  }
0x11c: {  	s31 =	simm.s32 $0x180;
	[sflag:s20] =	ssyncadd.s32 $0xFFFFD000  }
0x11d: {  	[tilespmem:s11], [sflag:$0x2] =	stream.indirect.gather [hbm4b:s1+s8], $0x80, s31, s8, $0xb8;
	[tilespmem:$0x1F280] =	vst v63  }
0x11e: {  	s31 =	sadd.s32 $0x30, s22  }
0x11f: {  	[tilespmem:s12], [sflag:$0x5] =	stream.linear.gather [hbm4b:s31+s5], $0x60, $0x38;
	[tilespmem:$0x1F280] =	vst v63  }
0x120: {  	_ =	swait.ge [sflag:s24], $0x3000  }
0x121: {  	[sflag:s24] =	ssyncset.done $0x0  }
0x122: {  	[sflag:s24] =	ssyncadd.s32 $0xFFFFD000  }
0x123: {  	_ =	swait.ge [sflag:s13], $0x60  }
0x124: {  	[sflag:s13] =	ssyncset.done $0x0  }
0x125: {  	[sflag:s13] =	ssyncadd.s32 $0xFFFFFFA0  }
0x126: {  	[spmem:s4] =	stream.indirect.scatter.add.f32 [tilespmem:s14], [sflag:$0x9], $0x80, s15, s8, $0xb8;
	[tilespmem:$0x1F280] =	vst v63  }
0x127: {  	_ =	swait.ge [sflag:s20], $0x3000  }
0x128: {  	s30 =	sadd.s32 $0x3C, s22;
	s3 =	simm.s32 $0x24;
	[sflag:s20] =	ssyncset.done $0x0  }
0x129: {  	s22 =	simm.s32 $0x300;
	s31 =	simm.s32 $0x1E0;
	[sflag:s20] =	ssyncadd.s32 $0xFFFFD000  }
0x12a: {  	[tilespmem:s14], [sflag:$0x3] =	stream.indirect.gather [hbm4b:s1+s8], $0x80, s31, s8, $0xb8;
	[tilespmem:$0x1F280] =	vst v63  }
.LBB2_3:
0x12b: {  	[tilespmem:s15], [sflag:$0x6] =	stream.linear.gather [hbm4b:s30+s5], $0x60, $0x38;
	[tilespmem:$0x1F280] =	vst v63  }
0x12c: {  	s30 =	smov.u32 s3  }
0x12d: {  	p2 =	sne.s32 s3, $0x480;
	s3 =	sadd.s32 $0x24, s3;
	_ =	swait.ge [sflag:s16], $0x3000  }
0x12e: {  	[sflag:s16] =	ssyncset.done $0x0  }
0x12f: {  	[sflag:s16] =	ssyncadd.s32 $0xFFFFD000  }
0x130: {  	_ =	swait.ge [sflag:s17], $0x60  }
0x131: {  	[sflag:s17] =	ssyncset.done $0x0  }
0x132: {  	[sflag:s17] =	ssyncadd.s32 $0xFFFFFFA0  }
0x133: {  	[spmem:s4] =	stream.indirect.scatter.add.f32 [tilespmem:s9], [sflag:$0x9], $0x80, s10, s8, $0xb8;
	[tilespmem:$0x1F280] =	vst v63  }
0x134: {  	_ =	swait.ge [sflag:s20], $0x3000  }
0x135: {  	[sflag:s20] =	ssyncset.done $0x0  }
0x136: {  	s31 =	sadd.s32 $0xFFFFFF40, s22;
	s30 =	sadd.s32 s30, s18;
	[sflag:s20] =	ssyncadd.s32 $0xFFFFD000  }
0x137: {  	[tilespmem:s9], [sflag:$0x1] =	stream.indirect.gather [hbm4b:s1+s8], $0x80, s31, s8, $0xb8;
	[tilespmem:$0x1F280] =	vst v63  }
0x138: {  	s31 =	sadd.s32 $0x24, s30  }
0x139: {  	[tilespmem:s10], [sflag:$0x4] =	stream.linear.gather [hbm4b:s31+s5], $0x60, $0x38;
	[tilespmem:$0x1F280] =	vst v63  }
0x13a: {  	_ =	swait.ge [sflag:s21], $0x3000  }
0x13b: {  	[sflag:s21] =	ssyncset.done $0x0  }
0x13c: {  	[sflag:s21] =	ssyncadd.s32 $0xFFFFD000  }
0x13d: {  	_ =	swait.ge [sflag:s23], $0x60  }
0x13e: {  	[sflag:s23] =	ssyncset.done $0x0  }
0x13f: {  	[sflag:s23] =	ssyncadd.s32 $0xFFFFFFA0  }
0x140: {  	[spmem:s4] =	stream.indirect.scatter.add.f32 [tilespmem:s11], [sflag:$0x9], $0x80, s12, s8, $0xb8;
	[tilespmem:$0x1F280] =	vst v63  }
0x141: {  	_ =	swait.ge [sflag:s20], $0x3000  }
0x142: {  	[sflag:s20] =	ssyncset.done $0x0  }
0x143: {  	s31 =	sadd.s32 $0xFFFFFFA0, s22;
	[sflag:s20] =	ssyncadd.s32 $0xFFFFD000  }
0x144: {  	[tilespmem:s11], [sflag:$0x2] =	stream.indirect.gather [hbm4b:s1+s8], $0x80, s31, s8, $0xb8;
	[tilespmem:$0x1F280] =	vst v63  }
0x145: {  	s31 =	sadd.s32 $0x30, s30  }
0x146: {  	[tilespmem:s12], [sflag:$0x5] =	stream.linear.gather [hbm4b:s31+s5], $0x60, $0x38;
	[tilespmem:$0x1F280] =	vst v63  }
0x147: {  	_ =	swait.ge [sflag:s24], $0x3000  }
0x148: {  	[sflag:s24] =	ssyncset.done $0x0  }
0x149: {  	[sflag:s24] =	ssyncadd.s32 $0xFFFFD000  }
0x14a: {  	_ =	swait.ge [sflag:s13], $0x60  }
0x14b: {  	[sflag:s13] =	ssyncset.done $0x0  }
0x14c: {  	[sflag:s13] =	ssyncadd.s32 $0xFFFFFFA0  }
0x14d: {  	[spmem:s4] =	stream.indirect.scatter.add.f32 [tilespmem:s14], [sflag:$0x9], $0x80, s15, s8, $0xb8;
	[tilespmem:$0x1F280] =	vst v63  }
.Ltmp5:
0x14e: {  	_ =	swait.ge [sflag:s20], $0x3000;
	(pc) =	sbr.rel @p2 .LBB2_3-.Ltmp5, $4  }
0x14f: {  	[sflag:s20] =	ssyncset.done $0x0  }
0x150: {  	[sflag:s20] =	ssyncadd.s32 $0xFFFFD000  }
0x151: {  	[tilespmem:s14], [sflag:$0x3] =	stream.indirect.gather [hbm4b:s1+s8], $0x80, s22, s8, $0xb8;
	[tilespmem:$0x1F280] =	vst v63  }
0x152: {  	s30 =	sadd.s32 $0x3C, s30;
	s22 =	sadd.s32 $0x120, s22  }
0x153: {  	[tilespmem:s15], [sflag:$0x6] =	stream.linear.gather [hbm4b:s30+s5], $0x60, $0x38;
	[tilespmem:$0x1F280] =	vst v63  }
0x154: {  	_ =	swait.ge [sflag:s16], $0x3000  }
0x155: {  	[sflag:s16] =	ssyncset.done $0x0  }
0x156: {  	[sflag:s16] =	ssyncadd.s32 $0xFFFFD000  }
0x157: {  	_ =	swait.ge [sflag:s17], $0x60  }
0x158: {  	[sflag:s17] =	ssyncset.done $0x0  }
0x159: {  	[sflag:s17] =	ssyncadd.s32 $0xFFFFFFA0  }
0x15a: {  	[spmem:s4] =	stream.indirect.scatter.add.f32 [tilespmem:s9], [sflag:$0x9], $0x80, s10, s8, $0xb8;
	[tilespmem:$0x1F280] =	vst v63  }
0x15b: {  	_ =	swait.ge [sflag:s20], $0x3000  }
0x15c: {  	[sflag:s20] =	ssyncset.done $0x0  }
0x15d: {  	s3 =	simm.s32 $0x2640;
	[sflag:s20] =	ssyncadd.s32 $0xFFFFD000  }
0x15e: {  	[tilespmem:s9], [sflag:$0x1] =	stream.indirect.gather [hbm4b:s1+s8], $0x80, s3, s8, $0xb8;
	[tilespmem:$0x1F280] =	vst v63  }
0x15f: {  	s30 =	rddreg [dreg:$0xf]  }
0x160: {  	[tilespmem:s10], [sflag:$0x4] =	stream.linear.gather [hbm4b:s30+s5], $0x60, $0x38;
	[tilespmem:$0x1F280] =	vst v63  }
0x161: {  	_ =	swait.ge [sflag:s21], $0x3000  }
0x162: {  	[sflag:s21] =	ssyncset.done $0x0  }
0x163: {  	[sflag:s21] =	ssyncadd.s32 $0xFFFFD000  }
0x164: {  	_ =	swait.ge [sflag:s23], $0x60  }
0x165: {  	[sflag:s23] =	ssyncset.done $0x0  }
0x166: {  	[sflag:s23] =	ssyncadd.s32 $0xFFFFFFA0  }
0x167: {  	[spmem:s4] =	stream.indirect.scatter.add.f32 [tilespmem:s11], [sflag:$0x9], $0x80, s12, s8, $0xb8;
	[tilespmem:$0x1F280] =	vst v63  }
0x168: {  	_ =	swait.ge [sflag:s20], $0x3000  }
0x169: {  	[sflag:s20] =	ssyncset.done $0x0  }
0x16a: {  	s31 =	simm.s32 $0x26A0;
	[sflag:s20] =	ssyncadd.s32 $0xFFFFD000  }
0x16b: {  	[tilespmem:s11], [sflag:$0x2] =	stream.indirect.gather [hbm4b:s1+s8], $0x80, s31, s8, $0xb8;
	[tilespmem:$0x1F280] =	vst v63  }
0x16c: {  	s22 =	rddreg [dreg:$0x10]  }
0x16d: {  	[tilespmem:s12], [sflag:$0x5] =	stream.linear.gather [hbm4b:s22+s5], $0x60, $0x38;
	[tilespmem:$0x1F280] =	vst v63  }
0x16e: {  	_ =	swait.ge [sflag:s24], $0x3000  }
0x16f: {  	[sflag:s24] =	ssyncset.done $0x0  }
0x170: {  	[sflag:s24] =	ssyncadd.s32 $0xFFFFD000  }
0x171: {  	_ =	swait.ge [sflag:s13], $0x60  }
0x172: {  	[sflag:s13] =	ssyncset.done $0x0  }
0x173: {  	[sflag:s13] =	ssyncadd.s32 $0xFFFFFFA0  }
0x174: {  	[spmem:s4] =	stream.indirect.scatter.add.f32 [tilespmem:s14], [sflag:$0x9], $0x80, s15, s8, $0xb8;
	[tilespmem:$0x1F280] =	vst v63  }
0x175: {  	_ =	swait.ge [sflag:s20], $0x3000  }
0x176: {  	[sflag:s20] =	ssyncset.done $0x0  }
0x177: {  	[sflag:s20] =	ssyncadd.s32 $0xFFFFD000  }
0x178: {  	_ =	swait.ge [sflag:s16], $0x3000  }
0x179: {  	[sflag:s16] =	ssyncset.done $0x0  }
0x17a: {  	[sflag:s16] =	ssyncadd.s32 $0xFFFFD000  }
0x17b: {  	_ =	swait.ge [sflag:s17], $0x60  }
0x17c: {  	[sflag:s17] =	ssyncset.done $0x0  }
0x17d: {  	[sflag:s17] =	ssyncadd.s32 $0xFFFFFFA0  }
0x17e: {  	[spmem:s4] =	stream.indirect.scatter.add.f32 [tilespmem:s9], [sflag:$0x9], $0x80, s10, s8, $0xb8;
	[tilespmem:$0x1F280] =	vst v63  }
0x17f: {  	_ =	swait.ge [sflag:s20], $0x3000  }
0x180: {  	[sflag:s20] =	ssyncset.done $0x0  }
0x181: {  	[sflag:s20] =	ssyncadd.s32 $0xFFFFD000  }
0x182: {  	_ =	swait.ge [sflag:s21], $0x3000  }
0x183: {  	[sflag:s21] =	ssyncset.done $0x0  }
0x184: {  	[sflag:s21] =	ssyncadd.s32 $0xFFFFD000  }
0x185: {  	_ =	swait.ge [sflag:s23], $0x60  }
0x186: {  	[sflag:s23] =	ssyncset.done $0x0  }
0x187: {  	[sflag:s23] =	ssyncadd.s32 $0xFFFFFFA0  }
0x188: {  	[spmem:s4] =	stream.indirect.scatter.add.f32 [tilespmem:s11], [sflag:$0x9], $0x80, s12, s8, $0xb8;
	[tilespmem:$0x1F280] =	vst v63  }
0x189: {  	_ =	swait.ge [sflag:s20], $0x3000  }
0x18a: {  	[sflag:s20] =	ssyncset.done $0x0  }
0x18b: {  	s30 =	simm.s32 $0x2700;
	[sflag:s20] =	ssyncadd.s32 $0xFFFFD000  }
0x18c: {  	[tilespmem:s14], [sflag:$0x3] =	stream.indirect.gather [hbm4b:s1+s28], $0x80, s30, s28, $0xb8;
	[tilespmem:$0x1F280] =	vst v63  }
0x18d: {  	s31 =	rddreg [dreg:$0xa]  }
0x18e: {  	[tilespmem:s0], [sflag:$0x9] =	stream.linear.gather [hbm4b:s31+s5], $0x10, $0x38;
	[tilespmem:$0x1F280] =	vst v63  }
0x18f: {  	_ =	swait.ge [sflag:s20], $0x10  }
0x190: {  	[sflag:s20] =	ssyncset.done $0x0  }
0x191: {  	[sflag:s20] =	ssyncadd.s32 $0xFFFFFFF0  }
0x192: {  	_ =	swait.ge [sflag:s24], $0x800  }
0x193: {  	[sflag:s24] =	ssyncset.done $0x0  }
0x194: {  	[sflag:s24] =	ssyncadd.s32 $0xFFFFF800  }
0x195: {  	[spmem:s4] =	stream.indirect.scatter.add.f32 [tilespmem:s14], [sflag:$0x9], $0x80, s0, s28, $0xb8;
	[tilespmem:$0x1F280] =	vst v63  }
0x196: {  	_ =	swait.ge [sflag:s20], $0x800  }
0x197: {  	[sflag:s20] =	ssyncset.done $0x0  }
0x198: {  	[sflag:s20] =	ssyncadd.s32 $0xFFFFF800  }
0x199: {  	[bflag:$0x0] =	sbarrier.arrive $0xFFFF  }
0x19a: {  	s3 =	simm.s32 @p1 $0x1FC9;
	s22 =	rddreg [dreg:$0x1a]  }
0x19b: {  	[hbm:s22], [sflag:s3] =	dma.local @p1 [spmem:s29], $0x2080  }
0x19c: {  	s3 =	simm.s32 @p1 $0x9  }
0x19d: {  	_ =	swait.ge @p1 [sflag:s3], $0x2080  }
0x19e: {  	[sflag:s3] =	ssyncset.done @p1 $0x0  }
0x19f: {  	[sflag:s3] =	ssyncadd.s32 @p1 $0xFFFFDF80;
	s3 =	rddreg [dreg:$0x18]  }
0x1a0: {  	[hbm:s3], [sflag:s26] =	dma.local @!p1 [spmem:s25], $0x2780  }
.Ltmp6:
0x1a1: {  	_ = 	snop;
	(pc) =	sbr.rel .LBB2_8-.Ltmp6, $4  }
0x1a2: {  	s3 =	simm.s32 @!p1 $0x9  }
0x1a3: {  	_ =	swait.ge @!p1 [sflag:s3], $0x2780  }
0x1a4: {  	[sflag:s3] =	ssyncset.done @!p1 $0x0  }
0x1a5: {  	[sflag:s3] =	ssyncadd.s32 @!p1 $0xFFFFD880  }
.LBB2_9:
0x1a6: {  	_ =	sfence.sel $0x180000  }
0x1a7: {  	[bflag:$0x0] =	sbarrier.arrive $0xFFFF  }
0x1a8: {  	_ =	strace $0x90000047  }
0x1a9: {  	s0 =	stileid.u32;
	[bflag:$0x2] =	sbarrier.arrive $0xFFFF  }
0x1aa: {  	p0 =	sne.s32 s0, $0x0;
	s0 =	rddreg [dreg:$0x6]  }
0x1ab: {  	s0 =	sadd.s32 @!p0 $0x100000, s0  }
0x1ac: {  	[sflag:s0] =	ssyncadd.tile.s32 @!p0 $0x1;
	_ =	shalt  }
.Lfunc_end2:
_tile_overlayer_lowered:
.L_overlay_start_2:
0x1ad: {  	(tag) =	ssettag $0x2  }
0x1ae: {  	s0 =	rddreg [dreg:$0x0];
	s2 =	stileid.u32  }
0x1af: {  	s1 =	rddreg [dreg:$0x1];
	p0 =	sne.s32 s2, $0x0  }
0x1b0: {  	s3 =	rddreg [dreg:$0x2];
	[bflag:$0x3] =	sbarrier.arrive $0xFFFF;
	s2 =	simm.s32 @!p0 $0x1C09  }
0x1b1: {  	[timem:s3], [sflag:s2] =	dma.local @!p0 [hbm:s0], s1  }
0x1b2: {  	s0 =	simm.s32 @!p0 $0x9  }
0x1b3: {  	_ =	swait.ge @!p0 [sflag:s0], s1  }
0x1b4: {  	s1 =	ssub.s32 @!p0 $0x0, s1;
	[sflag:s0] =	ssyncset.done @!p0 $0x0  }
0x1b5: {  	[sflag:s0] =	ssyncadd.s32 @!p0 s1  }
0x1b6: {  	[bflag:$0x3] =	sbarrier.arrive $0xFFFF  }
0x1b7: {  	_ =	shalt  }

</sc_bundles>
